<compile_context>
chip_gen: v7x
topology: tpu7x:2x2x1
jax: 0.10.2.dev20260603
libtpu: 0.0.44.dev20260713+nightly
codegen_flags: <defaults>
</compile_context>

<pallas_src>
import jax
import jax.numpy as jnp
import numpy as np
from jax.experimental import pallas as pl

C = 128
H = 8
D = 16
N = 32
KL = 192
M = N * KL
S = 4
W = M // S


def _mm(a, b):
    return jax.lax.dot_general(
        a, b, (((1,), (0,)), ((), ())), preferred_element_type=jnp.float32
    )


def _leaky(v):
    return jnp.where(v >= 0, v, 0.2 * v)


def _gat_layer(xs, wlt, wrt, blc, zc, bc, st_att, s_sel):
    xls = [_mm(wlt, xc.astype(jnp.bfloat16)) + blc for xc in xs]
    zs = [_mm(wrt, xc.astype(jnp.bfloat16)) + zc for xc in xs]
    outs = []
    for j in range(S):
        xlp = jnp.concatenate([xls[j - 1][:, -KL:], xls[j][:, :-KL]], axis=1)
        xln = jnp.concatenate([xls[j][:, KL:], xls[(j + 1) % S][:, :KL]], axis=1)
        la = _mm(st_att, _leaky(xlp + zs[j]))
        lb = _mm(st_att, _leaky(xln + zs[j]))
        mx = jnp.maximum(la, lb)
        ea = jnp.exp(la - mx)
        eb = jnp.exp(lb - mx)
        inv = 1.0 / (ea + eb + 1e-16)
        aa = _mm(s_sel, ea * inv)
        ab = _mm(s_sel, eb * inv)
        outs.append(aa * xlp + ab * xln + bc)
    return outs


def _gnn_kernel(*refs):
    x_refs = refs[:S]
    (wlt1_ref, wrt1_ref, blc1_ref, zc1_ref, bc1_ref,
     wlt2_ref, wrt2_ref, blc2_ref, zc2_ref, bc2_ref,
     st1_ref, st2_ref, s_ref) = refs[S:S + 13]
    out_refs = refs[S + 13:]

    xs = [r[0] for r in x_refs]
    h1 = _gat_layer(xs, wlt1_ref[...], wrt1_ref[...], blc1_ref[...],
                    zc1_ref[...], bc1_ref[...], st1_ref[...], s_ref[...])
    h1 = [jnp.maximum(h, 0.0) for h in h1]
    h2 = _gat_layer(h1, wlt2_ref[...], wrt2_ref[...], blc2_ref[...],
                    zc2_ref[...], bc2_ref[...], st2_ref[...], s_ref[...])
    for o_ref, h in zip(out_refs, h2):
        o_ref[0] = h


def kernel(x, edge_index, edge_weight, Wl1, bl1, Wr1, br1, We1, att1, b1,
           Wl2, bl2, Wr2, br2, We2, att2, b2):
    B = x.shape[0]
    xf = x.reshape(B, C, M)

    wlt1 = Wl1.T.astype(jnp.bfloat16)
    wrt1 = Wr1.T.astype(jnp.bfloat16)
    blc1 = bl1[:, None]
    zc1 = (br1 + We1[0])[:, None]
    bc1 = b1[:, None]
    wlt2 = Wl2.T.astype(jnp.bfloat16)
    wrt2 = Wr2.T.astype(jnp.bfloat16)
    blc2 = bl2[:, None]
    zc2 = (br2 + We2[0])[:, None]
    bc2 = b2[:, None]
    s_sel = (np.arange(C)[:, None] // D == np.arange(H)[None, :]).astype(np.float32)
    s_sel = jnp.asarray(s_sel)
    st1 = s_sel.T * att1.reshape(-1)[None, :]
    st2 = s_sel.T * att2.reshape(-1)[None, :]

    full = lambda shp: pl.BlockSpec(shp, lambda b: (0,) * len(shp))
    x_specs = [pl.BlockSpec((1, C, W), (lambda b, j=j: (b, 0, j))) for j in range(S)]
    outs = pl.pallas_call(
        _gnn_kernel,
        grid=(B,),
        in_specs=x_specs + [
            full((C, C)), full((C, C)), full((C, 1)), full((C, 1)), full((C, 1)),
            full((C, C)), full((C, C)), full((C, 1)), full((C, 1)), full((C, 1)),
            full((H, C)), full((H, C)), full((C, H)),
        ],
        out_specs=[pl.BlockSpec((1, C, W), lambda b: (b, 0, 0))] * S,
        out_shape=[jax.ShapeDtypeStruct((B, C, W), jnp.float32)] * S,
    )(*([xf] * S),
      wlt1, wrt1, blc1, zc1, bc1,
      wlt2, wrt2, blc2, zc2, bc2,
      st1, st2, s_sel)

    out = jnp.concatenate(outs, axis=2)
    return out.reshape(B, C, N, 8, 24)

# --- scband reference (transcript-rebuilt; emitter-appended) ---
"""Pipeline reference for scband-spatial-gnn-45432164057449 (READ-ONLY COPY).

The authoritative reference and input builder live on the scoring server;
editing this copy changes nothing except your own understanding.
"""

import jax, jax.numpy as jnp
import numpy as np

C = 128
H = 8
D = 16
N = 32
E = 64


def _ring_edge_index():
    idx = jnp.arange(N, dtype=jnp.int32)
    src = jnp.concatenate([idx, (idx + 1) % N])
    dst = jnp.concatenate([(idx + 1) % N, idx])
    return jnp.stack([src, dst])


def setup_inputs(seed: int = 0):
    key = jax.random.key(seed)
    ks = jax.random.split(key, 12)
    s = 1.0 / np.sqrt(C)
    sd = 1.0 / np.sqrt(D)
    inp = {}
    inp["x"] = jax.random.normal(ks[0], (16, C, N, 8, 24), dtype=jnp.float32)
    inp["edge_index"] = _ring_edge_index()
    inp["edge_weight"] = jnp.ones((E, 1), dtype=jnp.float32)
    inp["Wl1"] = jax.random.normal(ks[1], (C, H * D), dtype=jnp.float32) * s
    inp["bl1"] = jnp.zeros((H * D,), dtype=jnp.float32)
    inp["Wr1"] = jax.random.normal(ks[2], (C, H * D), dtype=jnp.float32) * s
    inp["br1"] = jnp.zeros((H * D,), dtype=jnp.float32)
    inp["We1"] = jax.random.normal(ks[3], (1, H * D), dtype=jnp.float32)
    inp["att1"] = jax.random.normal(ks[4], (H, D), dtype=jnp.float32) * sd
    inp["b1"] = jnp.zeros((H * D,), dtype=jnp.float32)
    inp["Wl2"] = jax.random.normal(ks[5], (C, H * D), dtype=jnp.float32) * s
    inp["bl2"] = jnp.zeros((H * D,), dtype=jnp.float32)
    inp["Wr2"] = jax.random.normal(ks[6], (C, H * D), dtype=jnp.float32) * s
    inp["br2"] = jnp.zeros((H * D,), dtype=jnp.float32)
    inp["We2"] = jax.random.normal(ks[7], (1, H * D), dtype=jnp.float32)
    inp["att2"] = jax.random.normal(ks[8], (H, D), dtype=jnp.float32) * sd
    inp["b2"] = jnp.zeros((H * D,), dtype=jnp.float32)
    return inp


def _gatv2_layer(h, src, dst, ew, Wl, bl, Wr, br, We, att, bias):
    n = h.shape[0]
    xl = (h @ Wl + bl).reshape(n, H, D)
    xr = (h @ Wr + br).reshape(n, H, D)
    e = (ew @ We).reshape(-1, H, D)
    m = jax.nn.leaky_relu(xl[src] + xr[dst] + e, negative_slope=0.2)
    logits = jnp.sum(m * att[None, :, :], axis=-1)
    lmax = jax.lax.stop_gradient(jax.ops.segment_max(logits, dst, num_segments=n))
    ex = jnp.exp(logits - lmax[dst])
    den = jax.ops.segment_sum(ex, dst, num_segments=n)
    alpha = ex / (den[dst] + 1e-16)
    out = jax.ops.segment_sum(xl[src] * alpha[:, :, None], dst, num_segments=n)
    return out.reshape(n, H * D) + bias


def reference(x, edge_index, edge_weight, Wl1, bl1, Wr1, br1, We1, att1, b1, Wl2, bl2, Wr2, br2, We2, att2, b2):
    B, Cc, Nn, K, L = x.shape
    G = B * K * L
    x_flat = jnp.transpose(x, (0, 3, 4, 2, 1)).reshape(G * Nn, Cc)
    Ee = edge_index.shape[1]
    off = jnp.arange(G, dtype=edge_index.dtype) * Nn
    bi = (edge_index[:, :, None] + off[None, None, :]).reshape(2, Ee * G)
    bew = jnp.tile(edge_weight, (G, 1))
    src = bi[0]
    dst = bi[1]
    h = _gatv2_layer(x_flat, src, dst, bew, Wl1, bl1, Wr1, br1, We1, att1, b1)
    h = jax.nn.relu(h)
    h = _gatv2_layer(h, src, dst, bew, Wl2, bl2, Wr2, br2, We2, att2, b2)
    out = h.reshape(B, K, L, Nn, Cc)
    return jnp.transpose(out, (0, 4, 3, 1, 2))

if __name__ == "__main__":
    import jax
    _d = setup_inputs()
    print(jax.jit(kernel)(*tuple(_d.values())))

</pallas_src>

<mosaic_0001>
module attributes {stable_mosaic.version = 14 : i64} {
  func.func @_gnn_kernel(%arg0: i32, %arg1: memref<1x128x1536xf32, #tpu.memory_space<vmem>>, %arg2: memref<1x128x1536xf32, #tpu.memory_space<vmem>>, %arg3: memref<1x128x1536xf32, #tpu.memory_space<vmem>>, %arg4: memref<1x128x1536xf32, #tpu.memory_space<vmem>>, %arg5: memref<128x128xbf16, #tpu.memory_space<vmem>>, %arg6: memref<128x128xbf16, #tpu.memory_space<vmem>>, %arg7: memref<128x1xf32, #tpu.memory_space<vmem>>, %arg8: memref<128x1xf32, #tpu.memory_space<vmem>>, %arg9: memref<128x1xf32, #tpu.memory_space<vmem>>, %arg10: memref<128x128xbf16, #tpu.memory_space<vmem>>, %arg11: memref<128x128xbf16, #tpu.memory_space<vmem>>, %arg12: memref<128x1xf32, #tpu.memory_space<vmem>>, %arg13: memref<128x1xf32, #tpu.memory_space<vmem>>, %arg14: memref<128x1xf32, #tpu.memory_space<vmem>>, %arg15: memref<8x128xf32, #tpu.memory_space<vmem>>, %arg16: memref<8x128xf32, #tpu.memory_space<vmem>>, %arg17: memref<128x8xf32, #tpu.memory_space<vmem>>, %arg18: memref<1x128x1536xf32, #tpu.memory_space<vmem>>, %arg19: memref<1x128x1536xf32, #tpu.memory_space<vmem>>, %arg20: memref<1x128x1536xf32, #tpu.memory_space<vmem>>, %arg21: memref<1x128x1536xf32, #tpu.memory_space<vmem>>) attributes {dimension_semantics = [#tpu.dimension_semantics<arbitrary>], iteration_bounds = array<i64: 16>, scalar_prefetch = 0 : i64, scratch_operands = 0 : i64, tpu.core_type = #tpu.core_type<tc>, window_params = [{transform_indices = @transform_0, window_bounds = array<i64: 1, 128, 1536>}, {transform_indices = @transform_1, window_bounds = array<i64: 1, 128, 1536>}, {transform_indices = @transform_2, window_bounds = array<i64: 1, 128, 1536>}, {transform_indices = @transform_3, window_bounds = array<i64: 1, 128, 1536>}, {pipeline_mode = #tpu.pipeline_mode<synchronous>, transform_indices = @transform_4, window_bounds = array<i64: 128, 128>}, {pipeline_mode = #tpu.pipeline_mode<synchronous>, transform_indices = @transform_5, window_bounds = array<i64: 128, 128>}, {pipeline_mode = #tpu.pipeline_mode<synchronous>, transform_indices = @transform_6, window_bounds = array<i64: 128, 1>}, {pipeline_mode = #tpu.pipeline_mode<synchronous>, transform_indices = @transform_7, window_bounds = array<i64: 128, 1>}, {pipeline_mode = #tpu.pipeline_mode<synchronous>, transform_indices = @transform_8, window_bounds = array<i64: 128, 1>}, {pipeline_mode = #tpu.pipeline_mode<synchronous>, transform_indices = @transform_9, window_bounds = array<i64: 128, 128>}, {pipeline_mode = #tpu.pipeline_mode<synchronous>, transform_indices = @transform_10, window_bounds = array<i64: 128, 128>}, {pipeline_mode = #tpu.pipeline_mode<synchronous>, transform_indices = @transform_11, window_bounds = array<i64: 128, 1>}, {pipeline_mode = #tpu.pipeline_mode<synchronous>, transform_indices = @transform_12, window_bounds = array<i64: 128, 1>}, {pipeline_mode = #tpu.pipeline_mode<synchronous>, transform_indices = @transform_13, window_bounds = array<i64: 128, 1>}, {pipeline_mode = #tpu.pipeline_mode<synchronous>, transform_indices = @transform_14, window_bounds = array<i64: 8, 128>}, {pipeline_mode = #tpu.pipeline_mode<synchronous>, transform_indices = @transform_15, window_bounds = array<i64: 8, 128>}, {pipeline_mode = #tpu.pipeline_mode<synchronous>, transform_indices = @transform_16, window_bounds = array<i64: 128, 8>}, {transform_indices = @transform_17, window_bounds = array<i64: 1, 128, 1536>}, {transform_indices = @transform_18, window_bounds = array<i64: 1, 128, 1536>}, {transform_indices = @transform_19, window_bounds = array<i64: 1, 128, 1536>}, {transform_indices = @transform_20, window_bounds = array<i64: 1, 128, 1536>}]} {
    %get3A = arith.constant 0 : index
    %get3A_0 = arith.constant 0 : index
    %get3A_1 = arith.constant 0 : index
    %get3A_2 = vector.load %arg1[%get3A, %get3A_0, %get3A_1] : memref<1x128x1536xf32, #tpu.memory_space<vmem>>, vector<1x128x1536xf32>
    %get3A_3 = vector.shape_cast %get3A_2 : vector<1x128x1536xf32> to vector<128x1536xf32>
    %get3A_4 = arith.constant 0 : index
    %get3A_5 = arith.constant 0 : index
    %get3A_6 = arith.constant 0 : index
    %get3A_7 = vector.load %arg2[%get3A_4, %get3A_5, %get3A_6] : memref<1x128x1536xf32, #tpu.memory_space<vmem>>, vector<1x128x1536xf32>
    %get3A_8 = vector.shape_cast %get3A_7 : vector<1x128x1536xf32> to vector<128x1536xf32>
    %get3A_9 = arith.constant 0 : index
    %get3A_10 = arith.constant 0 : index
    %get3A_11 = arith.constant 0 : index
    %get3A_12 = vector.load %arg3[%get3A_9, %get3A_10, %get3A_11] : memref<1x128x1536xf32, #tpu.memory_space<vmem>>, vector<1x128x1536xf32>
    %get3A_13 = vector.shape_cast %get3A_12 : vector<1x128x1536xf32> to vector<128x1536xf32>
    %get3A_14 = arith.constant 0 : index
    %get3A_15 = arith.constant 0 : index
    %get3A_16 = arith.constant 0 : index
    %get3A_17 = vector.load %arg4[%get3A_14, %get3A_15, %get3A_16] : memref<1x128x1536xf32, #tpu.memory_space<vmem>>, vector<1x128x1536xf32>
    %get3A_18 = vector.shape_cast %get3A_17 : vector<1x128x1536xf32> to vector<128x1536xf32>
    %get3A_19 = arith.constant 0 : index
    %get3A_20 = arith.constant 0 : index
    %get3A_21 = vector.load %arg5[%get3A_19, %get3A_20] : memref<128x128xbf16, #tpu.memory_space<vmem>>, vector<128x128xbf16>
    %get3A_22 = arith.constant 0 : index
    %get3A_23 = arith.constant 0 : index
    %get3A_24 = vector.load %arg6[%get3A_22, %get3A_23] : memref<128x128xbf16, #tpu.memory_space<vmem>>, vector<128x128xbf16>
    %get3A_25 = arith.constant 0 : index
    %get3A_26 = arith.constant 0 : index
    %get3A_27 = vector.load %arg7[%get3A_25, %get3A_26] : memref<128x1xf32, #tpu.memory_space<vmem>>, vector<128x1xf32>
    %get3A_28 = arith.constant 0 : index
    %get3A_29 = arith.constant 0 : index
    %get3A_30 = vector.load %arg8[%get3A_28, %get3A_29] : memref<128x1xf32, #tpu.memory_space<vmem>>, vector<128x1xf32>
    %get3A_31 = arith.constant 0 : index
    %get3A_32 = arith.constant 0 : index
    %get3A_33 = vector.load %arg9[%get3A_31, %get3A_32] : memref<128x1xf32, #tpu.memory_space<vmem>>, vector<128x1xf32>
    %get3A_34 = arith.constant 0 : index
    %get3A_35 = arith.constant 0 : index
    %get3A_36 = vector.load %arg15[%get3A_34, %get3A_35] : memref<8x128xf32, #tpu.memory_space<vmem>>, vector<8x128xf32>
    %get3A_37 = arith.constant 0 : index
    %get3A_38 = arith.constant 0 : index
    %get3A_39 = vector.load %arg17[%get3A_37, %get3A_38] : memref<128x8xf32, #tpu.memory_space<vmem>>, vector<128x8xf32>
    %convert_element_type3A = arith.truncf %get3A_3 : vector<128x1536xf32> to vector<128x1536xbf16>
    %dot_general3A = arith.constant dense<0.000000e+00> : vector<128x1536xf32>
    %dot_general3A_40 = tpu.matmul %get3A_21, %convert_element_type3A, %dot_general3A {dimension_numbers = #tpu.dot_dimension_numbers<[1], [0], [0], [1], [0, 0, 1, 1], [], []>, transpose_lhs_hint = false} : vector<128x128xbf16>, vector<128x1536xbf16>, vector<128x1536xf32> -> vector<128x1536xf32>
    %add3A = vector.broadcast %get3A_27 : vector<128x1xf32> to vector<128x1536xf32>
    %add3A_41 = arith.addf %dot_general3A_40, %add3A : vector<128x1536xf32>
    %convert_element_type3A_42 = arith.truncf %get3A_8 : vector<128x1536xf32> to vector<128x1536xbf16>
    %dot_general3A_43 = arith.constant dense<0.000000e+00> : vector<128x1536xf32>
    %dot_general3A_44 = tpu.matmul %get3A_21, %convert_element_type3A_42, %dot_general3A_43 {dimension_numbers = #tpu.dot_dimension_numbers<[1], [0], [0], [1], [0, 0, 1, 1], [], []>, transpose_lhs_hint = false} : vector<128x128xbf16>, vector<128x1536xbf16>, vector<128x1536xf32> -> vector<128x1536xf32>
    %add3A_45 = vector.broadcast %get3A_27 : vector<128x1xf32> to vector<128x1536xf32>
    %add3A_46 = arith.addf %dot_general3A_44, %add3A_45 : vector<128x1536xf32>
    %convert_element_type3A_47 = arith.truncf %get3A_13 : vector<128x1536xf32> to vector<128x1536xbf16>
    %dot_general3A_48 = arith.constant dense<0.000000e+00> : vector<128x1536xf32>
    %dot_general3A_49 = tpu.matmul %get3A_21, %convert_element_type3A_47, %dot_general3A_48 {dimension_numbers = #tpu.dot_dimension_numbers<[1], [0], [0], [1], [0, 0, 1, 1], [], []>, transpose_lhs_hint = false} : vector<128x128xbf16>, vector<128x1536xbf16>, vector<128x1536xf32> -> vector<128x1536xf32>
    %add3A_50 = vector.broadcast %get3A_27 : vector<128x1xf32> to vector<128x1536xf32>
    %add3A_51 = arith.addf %dot_general3A_49, %add3A_50 : vector<128x1536xf32>
    %convert_element_type3A_52 = arith.truncf %get3A_18 : vector<128x1536xf32> to vector<128x1536xbf16>
    %dot_general3A_53 = arith.constant dense<0.000000e+00> : vector<128x1536xf32>
    %dot_general3A_54 = tpu.matmul %get3A_21, %convert_element_type3A_52, %dot_general3A_53 {dimension_numbers = #tpu.dot_dimension_numbers<[1], [0], [0], [1], [0, 0, 1, 1], [], []>, transpose_lhs_hint = false} : vector<128x128xbf16>, vector<128x1536xbf16>, vector<128x1536xf32> -> vector<128x1536xf32>
    %add3A_55 = vector.broadcast %get3A_27 : vector<128x1xf32> to vector<128x1536xf32>
    %add3A_56 = arith.addf %dot_general3A_54, %add3A_55 : vector<128x1536xf32>
    %convert_element_type3A_57 = arith.truncf %get3A_3 : vector<128x1536xf32> to vector<128x1536xbf16>
    %dot_general3A_58 = arith.constant dense<0.000000e+00> : vector<128x1536xf32>
    %dot_general3A_59 = tpu.matmul %get3A_24, %convert_element_type3A_57, %dot_general3A_58 {dimension_numbers = #tpu.dot_dimension_numbers<[1], [0], [0], [1], [0, 0, 1, 1], [], []>, transpose_lhs_hint = false} : vector<128x128xbf16>, vector<128x1536xbf16>, vector<128x1536xf32> -> vector<128x1536xf32>
    %add3A_60 = vector.broadcast %get3A_30 : vector<128x1xf32> to vector<128x1536xf32>
    %add3A_61 = arith.addf %dot_general3A_59, %add3A_60 : vector<128x1536xf32>
    %convert_element_type3A_62 = arith.truncf %get3A_8 : vector<128x1536xf32> to vector<128x1536xbf16>
    %dot_general3A_63 = arith.constant dense<0.000000e+00> : vector<128x1536xf32>
    %dot_general3A_64 = tpu.matmul %get3A_24, %convert_element_type3A_62, %dot_general3A_63 {dimension_numbers = #tpu.dot_dimension_numbers<[1], [0], [0], [1], [0, 0, 1, 1], [], []>, transpose_lhs_hint = false} : vector<128x128xbf16>, vector<128x1536xbf16>, vector<128x1536xf32> -> vector<128x1536xf32>
    %add3A_65 = vector.broadcast %get3A_30 : vector<128x1xf32> to vector<128x1536xf32>
    %add3A_66 = arith.addf %dot_general3A_64, %add3A_65 : vector<128x1536xf32>
    %convert_element_type3A_67 = arith.truncf %get3A_13 : vector<128x1536xf32> to vector<128x1536xbf16>
    %dot_general3A_68 = arith.constant dense<0.000000e+00> : vector<128x1536xf32>
    %dot_general3A_69 = tpu.matmul %get3A_24, %convert_element_type3A_67, %dot_general3A_68 {dimension_numbers = #tpu.dot_dimension_numbers<[1], [0], [0], [1], [0, 0, 1, 1], [], []>, transpose_lhs_hint = false} : vector<128x128xbf16>, vector<128x1536xbf16>, vector<128x1536xf32> -> vector<128x1536xf32>
    %add3A_70 = vector.broadcast %get3A_30 : vector<128x1xf32> to vector<128x1536xf32>
    %add3A_71 = arith.addf %dot_general3A_69, %add3A_70 : vector<128x1536xf32>
    %convert_element_type3A_72 = arith.truncf %get3A_18 : vector<128x1536xf32> to vector<128x1536xbf16>
    %dot_general3A_73 = arith.constant dense<0.000000e+00> : vector<128x1536xf32>
    %dot_general3A_74 = tpu.matmul %get3A_24, %convert_element_type3A_72, %dot_general3A_73 {dimension_numbers = #tpu.dot_dimension_numbers<[1], [0], [0], [1], [0, 0, 1, 1], [], []>, transpose_lhs_hint = false} : vector<128x128xbf16>, vector<128x1536xbf16>, vector<128x1536xf32> -> vector<128x1536xf32>
    %add3A_75 = vector.broadcast %get3A_30 : vector<128x1xf32> to vector<128x1536xf32>
    %add3A_76 = arith.addf %dot_general3A_74, %add3A_75 : vector<128x1536xf32>
    %slice3A = vector.extract_strided_slice %add3A_56 {offsets = [0, 1344], sizes = [128, 192], strides = [1, 1]} : vector<128x1536xf32> to vector<128x192xf32>
    %slice3A_77 = vector.extract_strided_slice %add3A_41 {offsets = [0, 0], sizes = [128, 1344], strides = [1, 1]} : vector<128x1536xf32> to vector<128x1344xf32>
    %concatenate3A = tpu.concatenate %slice3A, %slice3A_77 in 1 : vector<128x192xf32>, vector<128x1344xf32> -> vector<128x1536xf32>
    %slice3A_78 = vector.extract_strided_slice %add3A_41 {offsets = [0, 192], sizes = [128, 1344], strides = [1, 1]} : vector<128x1536xf32> to vector<128x1344xf32>
    %slice3A_79 = vector.extract_strided_slice %add3A_46 {offsets = [0, 0], sizes = [128, 192], strides = [1, 1]} : vector<128x1536xf32> to vector<128x192xf32>
    %concatenate3A_80 = tpu.concatenate %slice3A_78, %slice3A_79 in 1 : vector<128x1344xf32>, vector<128x192xf32> -> vector<128x1536xf32>
    %add3A_81 = arith.addf %concatenate3A, %add3A_61 : vector<128x1536xf32>
    %ge3A = arith.constant 0.000000e+00 : f32
    %ge3A_82 = vector.broadcast %ge3A : f32 to vector<128x1536xf32>
    %ge3A_83 = arith.cmpf oge, %add3A_81, %ge3A_82 : vector<128x1536xf32>
    %mul3A = arith.constant 2.000000e-01 : f32
    %mul3A_84 = vector.broadcast %mul3A : f32 to vector<128x1536xf32>
    %mul3A_85 = arith.mulf %mul3A_84, %add3A_81 : vector<128x1536xf32>
    %select_n3A = arith.select %ge3A_83, %add3A_81, %mul3A_85 : vector<128x1536xi1>, vector<128x1536xf32>
    %dot_general3A_86 = arith.constant dense<0.000000e+00> : vector<8x1536xf32>
    %dot_general3A_87 = tpu.matmul %get3A_36, %select_n3A, %dot_general3A_86 {dimension_numbers = #tpu.dot_dimension_numbers<[1], [0], [0], [1], [0, 0, 1, 1], [], []>, transpose_lhs_hint = false} : vector<8x128xf32>, vector<128x1536xf32>, vector<8x1536xf32> -> vector<8x1536xf32>
    %add3A_88 = arith.addf %concatenate3A_80, %add3A_61 : vector<128x1536xf32>
    %ge3A_89 = arith.constant 0.000000e+00 : f32
    %ge3A_90 = vector.broadcast %ge3A_89 : f32 to vector<128x1536xf32>
    %ge3A_91 = arith.cmpf oge, %add3A_88, %ge3A_90 : vector<128x1536xf32>
    %mul3A_92 = arith.constant 2.000000e-01 : f32
    %mul3A_93 = vector.broadcast %mul3A_92 : f32 to vector<128x1536xf32>
    %mul3A_94 = arith.mulf %mul3A_93, %add3A_88 : vector<128x1536xf32>
    %select_n3A_95 = arith.select %ge3A_91, %add3A_88, %mul3A_94 : vector<128x1536xi1>, vector<128x1536xf32>
    %dot_general3A_96 = arith.constant dense<0.000000e+00> : vector<8x1536xf32>
    %dot_general3A_97 = tpu.matmul %get3A_36, %select_n3A_95, %dot_general3A_96 {dimension_numbers = #tpu.dot_dimension_numbers<[1], [0], [0], [1], [0, 0, 1, 1], [], []>, transpose_lhs_hint = false} : vector<8x128xf32>, vector<128x1536xf32>, vector<8x1536xf32> -> vector<8x1536xf32>
    %max3A = arith.maximumf %dot_general3A_87, %dot_general3A_97 : vector<8x1536xf32>
    %sub3A = arith.subf %dot_general3A_87, %max3A : vector<8x1536xf32>
    %exp3A = math.exp %sub3A : vector<8x1536xf32>
    %sub3A_98 = arith.subf %dot_general3A_97, %max3A : vector<8x1536xf32>
    %exp3A_99 = math.exp %sub3A_98 : vector<8x1536xf32>
    %add3A_100 = arith.addf %exp3A, %exp3A_99 : vector<8x1536xf32>
    %add3A_101 = arith.constant 1.000000e-16 : f32
    %add3A_102 = vector.broadcast %add3A_101 : f32 to vector<8x1536xf32>
    %add3A_103 = arith.addf %add3A_100, %add3A_102 : vector<8x1536xf32>
    %div3A = arith.constant 1.000000e+00 : f32
    %div3A_104 = vector.broadcast %div3A : f32 to vector<8x1536xf32>
    %div3A_105 = arith.divf %div3A_104, %add3A_103 : vector<8x1536xf32>
    %mul3A_106 = arith.mulf %exp3A, %div3A_105 : vector<8x1536xf32>
    %dot_general3A_107 = arith.constant dense<0.000000e+00> : vector<128x1536xf32>
    %dot_general3A_108 = tpu.matmul %get3A_39, %mul3A_106, %dot_general3A_107 {dimension_numbers = #tpu.dot_dimension_numbers<[1], [0], [0], [1], [0, 0, 1, 1], [], []>, transpose_lhs_hint = false} : vector<128x8xf32>, vector<8x1536xf32>, vector<128x1536xf32> -> vector<128x1536xf32>
    %mul3A_109 = arith.mulf %exp3A_99, %div3A_105 : vector<8x1536xf32>
    %dot_general3A_110 = arith.constant dense<0.000000e+00> : vector<128x1536xf32>
    %dot_general3A_111 = tpu.matmul %get3A_39, %mul3A_109, %dot_general3A_110 {dimension_numbers = #tpu.dot_dimension_numbers<[1], [0], [0], [1], [0, 0, 1, 1], [], []>, transpose_lhs_hint = false} : vector<128x8xf32>, vector<8x1536xf32>, vector<128x1536xf32> -> vector<128x1536xf32>
    %mul3A_112 = arith.mulf %dot_general3A_108, %concatenate3A : vector<128x1536xf32>
    %mul3A_113 = arith.mulf %dot_general3A_111, %concatenate3A_80 : vector<128x1536xf32>
    %add3A_114 = arith.addf %mul3A_112, %mul3A_113 : vector<128x1536xf32>
    %add3A_115 = vector.broadcast %get3A_33 : vector<128x1xf32> to vector<128x1536xf32>
    %add3A_116 = arith.addf %add3A_114, %add3A_115 : vector<128x1536xf32>
    %slice3A_117 = vector.extract_strided_slice %add3A_41 {offsets = [0, 1344], sizes = [128, 192], strides = [1, 1]} : vector<128x1536xf32> to vector<128x192xf32>
    %slice3A_118 = vector.extract_strided_slice %add3A_46 {offsets = [0, 0], sizes = [128, 1344], strides = [1, 1]} : vector<128x1536xf32> to vector<128x1344xf32>
    %concatenate3A_119 = tpu.concatenate %slice3A_117, %slice3A_118 in 1 : vector<128x192xf32>, vector<128x1344xf32> -> vector<128x1536xf32>
    %slice3A_120 = vector.extract_strided_slice %add3A_46 {offsets = [0, 192], sizes = [128, 1344], strides = [1, 1]} : vector<128x1536xf32> to vector<128x1344xf32>
    %slice3A_121 = vector.extract_strided_slice %add3A_51 {offsets = [0, 0], sizes = [128, 192], strides = [1, 1]} : vector<128x1536xf32> to vector<128x192xf32>
    %concatenate3A_122 = tpu.concatenate %slice3A_120, %slice3A_121 in 1 : vector<128x1344xf32>, vector<128x192xf32> -> vector<128x1536xf32>
    %add3A_123 = arith.addf %concatenate3A_119, %add3A_66 : vector<128x1536xf32>
    %ge3A_124 = arith.constant 0.000000e+00 : f32
    %ge3A_125 = vector.broadcast %ge3A_124 : f32 to vector<128x1536xf32>
    %ge3A_126 = arith.cmpf oge, %add3A_123, %ge3A_125 : vector<128x1536xf32>
    %mul3A_127 = arith.constant 2.000000e-01 : f32
    %mul3A_128 = vector.broadcast %mul3A_127 : f32 to vector<128x1536xf32>
    %mul3A_129 = arith.mulf %mul3A_128, %add3A_123 : vector<128x1536xf32>
    %select_n3A_130 = arith.select %ge3A_126, %add3A_123, %mul3A_129 : vector<128x1536xi1>, vector<128x1536xf32>
    %dot_general3A_131 = arith.constant dense<0.000000e+00> : vector<8x1536xf32>
    %dot_general3A_132 = tpu.matmul %get3A_36, %select_n3A_130, %dot_general3A_131 {dimension_numbers = #tpu.dot_dimension_numbers<[1], [0], [0], [1], [0, 0, 1, 1], [], []>, transpose_lhs_hint = false} : vector<8x128xf32>, vector<128x1536xf32>, vector<8x1536xf32> -> vector<8x1536xf32>
    %add3A_133 = arith.addf %concatenate3A_122, %add3A_66 : vector<128x1536xf32>
    %ge3A_134 = arith.constant 0.000000e+00 : f32
    %ge3A_135 = vector.broadcast %ge3A_134 : f32 to vector<128x1536xf32>
    %ge3A_136 = arith.cmpf oge, %add3A_133, %ge3A_135 : vector<128x1536xf32>
    %mul3A_137 = arith.constant 2.000000e-01 : f32
    %mul3A_138 = vector.broadcast %mul3A_137 : f32 to vector<128x1536xf32>
    %mul3A_139 = arith.mulf %mul3A_138, %add3A_133 : vector<128x1536xf32>
    %select_n3A_140 = arith.select %ge3A_136, %add3A_133, %mul3A_139 : vector<128x1536xi1>, vector<128x1536xf32>
    %dot_general3A_141 = arith.constant dense<0.000000e+00> : vector<8x1536xf32>
    %dot_general3A_142 = tpu.matmul %get3A_36, %select_n3A_140, %dot_general3A_141 {dimension_numbers = #tpu.dot_dimension_numbers<[1], [0], [0], [1], [0, 0, 1, 1], [], []>, transpose_lhs_hint = false} : vector<8x128xf32>, vector<128x1536xf32>, vector<8x1536xf32> -> vector<8x1536xf32>
    %max3A_143 = arith.maximumf %dot_general3A_132, %dot_general3A_142 : vector<8x1536xf32>
    %sub3A_144 = arith.subf %dot_general3A_132, %max3A_143 : vector<8x1536xf32>
    %exp3A_145 = math.exp %sub3A_144 : vector<8x1536xf32>
    %sub3A_146 = arith.subf %dot_general3A_142, %max3A_143 : vector<8x1536xf32>
    %exp3A_147 = math.exp %sub3A_146 : vector<8x1536xf32>
    %add3A_148 = arith.addf %exp3A_145, %exp3A_147 : vector<8x1536xf32>
    %add3A_149 = arith.constant 1.000000e-16 : f32
    %add3A_150 = vector.broadcast %add3A_149 : f32 to vector<8x1536xf32>
    %add3A_151 = arith.addf %add3A_148, %add3A_150 : vector<8x1536xf32>
    %div3A_152 = arith.constant 1.000000e+00 : f32
    %div3A_153 = vector.broadcast %div3A_152 : f32 to vector<8x1536xf32>
    %div3A_154 = arith.divf %div3A_153, %add3A_151 : vector<8x1536xf32>
    %mul3A_155 = arith.mulf %exp3A_145, %div3A_154 : vector<8x1536xf32>
    %dot_general3A_156 = arith.constant dense<0.000000e+00> : vector<128x1536xf32>
    %dot_general3A_157 = tpu.matmul %get3A_39, %mul3A_155, %dot_general3A_156 {dimension_numbers = #tpu.dot_dimension_numbers<[1], [0], [0], [1], [0, 0, 1, 1], [], []>, transpose_lhs_hint = false} : vector<128x8xf32>, vector<8x1536xf32>, vector<128x1536xf32> -> vector<128x1536xf32>
    %mul3A_158 = arith.mulf %exp3A_147, %div3A_154 : vector<8x1536xf32>
    %dot_general3A_159 = arith.constant dense<0.000000e+00> : vector<128x1536xf32>
    %dot_general3A_160 = tpu.matmul %get3A_39, %mul3A_158, %dot_general3A_159 {dimension_numbers = #tpu.dot_dimension_numbers<[1], [0], [0], [1], [0, 0, 1, 1], [], []>, transpose_lhs_hint = false} : vector<128x8xf32>, vector<8x1536xf32>, vector<128x1536xf32> -> vector<128x1536xf32>
    %mul3A_161 = arith.mulf %dot_general3A_157, %concatenate3A_119 : vector<128x1536xf32>
    %mul3A_162 = arith.mulf %dot_general3A_160, %concatenate3A_122 : vector<128x1536xf32>
    %add3A_163 = arith.addf %mul3A_161, %mul3A_162 : vector<128x1536xf32>
    %add3A_164 = vector.broadcast %get3A_33 : vector<128x1xf32> to vector<128x1536xf32>
    %add3A_165 = arith.addf %add3A_163, %add3A_164 : vector<128x1536xf32>
    %slice3A_166 = vector.extract_strided_slice %add3A_46 {offsets = [0, 1344], sizes = [128, 192], strides = [1, 1]} : vector<128x1536xf32> to vector<128x192xf32>
    %slice3A_167 = vector.extract_strided_slice %add3A_51 {offsets = [0, 0], sizes = [128, 1344], strides = [1, 1]} : vector<128x1536xf32> to vector<128x1344xf32>
    %concatenate3A_168 = tpu.concatenate %slice3A_166, %slice3A_167 in 1 : vector<128x192xf32>, vector<128x1344xf32> -> vector<128x1536xf32>
    %slice3A_169 = vector.extract_strided_slice %add3A_51 {offsets = [0, 192], sizes = [128, 1344], strides = [1, 1]} : vector<128x1536xf32> to vector<128x1344xf32>
    %slice3A_170 = vector.extract_strided_slice %add3A_56 {offsets = [0, 0], sizes = [128, 192], strides = [1, 1]} : vector<128x1536xf32> to vector<128x192xf32>
    %concatenate3A_171 = tpu.concatenate %slice3A_169, %slice3A_170 in 1 : vector<128x1344xf32>, vector<128x192xf32> -> vector<128x1536xf32>
    %add3A_172 = arith.addf %concatenate3A_168, %add3A_71 : vector<128x1536xf32>
    %ge3A_173 = arith.constant 0.000000e+00 : f32
    %ge3A_174 = vector.broadcast %ge3A_173 : f32 to vector<128x1536xf32>
    %ge3A_175 = arith.cmpf oge, %add3A_172, %ge3A_174 : vector<128x1536xf32>
    %mul3A_176 = arith.constant 2.000000e-01 : f32
    %mul3A_177 = vector.broadcast %mul3A_176 : f32 to vector<128x1536xf32>
    %mul3A_178 = arith.mulf %mul3A_177, %add3A_172 : vector<128x1536xf32>
    %select_n3A_179 = arith.select %ge3A_175, %add3A_172, %mul3A_178 : vector<128x1536xi1>, vector<128x1536xf32>
    %dot_general3A_180 = arith.constant dense<0.000000e+00> : vector<8x1536xf32>
    %dot_general3A_181 = tpu.matmul %get3A_36, %select_n3A_179, %dot_general3A_180 {dimension_numbers = #tpu.dot_dimension_numbers<[1], [0], [0], [1], [0, 0, 1, 1], [], []>, transpose_lhs_hint = false} : vector<8x128xf32>, vector<128x1536xf32>, vector<8x1536xf32> -> vector<8x1536xf32>
    %add3A_182 = arith.addf %concatenate3A_171, %add3A_71 : vector<128x1536xf32>
    %ge3A_183 = arith.constant 0.000000e+00 : f32
    %ge3A_184 = vector.broadcast %ge3A_183 : f32 to vector<128x1536xf32>
    %ge3A_185 = arith.cmpf oge, %add3A_182, %ge3A_184 : vector<128x1536xf32>
    %mul3A_186 = arith.constant 2.000000e-01 : f32
    %mul3A_187 = vector.broadcast %mul3A_186 : f32 to vector<128x1536xf32>
    %mul3A_188 = arith.mulf %mul3A_187, %add3A_182 : vector<128x1536xf32>
    %select_n3A_189 = arith.select %ge3A_185, %add3A_182, %mul3A_188 : vector<128x1536xi1>, vector<128x1536xf32>
    %dot_general3A_190 = arith.constant dense<0.000000e+00> : vector<8x1536xf32>
    %dot_general3A_191 = tpu.matmul %get3A_36, %select_n3A_189, %dot_general3A_190 {dimension_numbers = #tpu.dot_dimension_numbers<[1], [0], [0], [1], [0, 0, 1, 1], [], []>, transpose_lhs_hint = false} : vector<8x128xf32>, vector<128x1536xf32>, vector<8x1536xf32> -> vector<8x1536xf32>
    %max3A_192 = arith.maximumf %dot_general3A_181, %dot_general3A_191 : vector<8x1536xf32>
    %sub3A_193 = arith.subf %dot_general3A_181, %max3A_192 : vector<8x1536xf32>
    %exp3A_194 = math.exp %sub3A_193 : vector<8x1536xf32>
    %sub3A_195 = arith.subf %dot_general3A_191, %max3A_192 : vector<8x1536xf32>
    %exp3A_196 = math.exp %sub3A_195 : vector<8x1536xf32>
    %add3A_197 = arith.addf %exp3A_194, %exp3A_196 : vector<8x1536xf32>
    %add3A_198 = arith.constant 1.000000e-16 : f32
    %add3A_199 = vector.broadcast %add3A_198 : f32 to vector<8x1536xf32>
    %add3A_200 = arith.addf %add3A_197, %add3A_199 : vector<8x1536xf32>
    %div3A_201 = arith.constant 1.000000e+00 : f32
    %div3A_202 = vector.broadcast %div3A_201 : f32 to vector<8x1536xf32>
    %div3A_203 = arith.divf %div3A_202, %add3A_200 : vector<8x1536xf32>
    %mul3A_204 = arith.mulf %exp3A_194, %div3A_203 : vector<8x1536xf32>
    %dot_general3A_205 = arith.constant dense<0.000000e+00> : vector<128x1536xf32>
    %dot_general3A_206 = tpu.matmul %get3A_39, %mul3A_204, %dot_general3A_205 {dimension_numbers = #tpu.dot_dimension_numbers<[1], [0], [0], [1], [0, 0, 1, 1], [], []>, transpose_lhs_hint = false} : vector<128x8xf32>, vector<8x1536xf32>, vector<128x1536xf32> -> vector<128x1536xf32>
    %mul3A_207 = arith.mulf %exp3A_196, %div3A_203 : vector<8x1536xf32>
    %dot_general3A_208 = arith.constant dense<0.000000e+00> : vector<128x1536xf32>
    %dot_general3A_209 = tpu.matmul %get3A_39, %mul3A_207, %dot_general3A_208 {dimension_numbers = #tpu.dot_dimension_numbers<[1], [0], [0], [1], [0, 0, 1, 1], [], []>, transpose_lhs_hint = false} : vector<128x8xf32>, vector<8x1536xf32>, vector<128x1536xf32> -> vector<128x1536xf32>
    %mul3A_210 = arith.mulf %dot_general3A_206, %concatenate3A_168 : vector<128x1536xf32>
    %mul3A_211 = arith.mulf %dot_general3A_209, %concatenate3A_171 : vector<128x1536xf32>
    %add3A_212 = arith.addf %mul3A_210, %mul3A_211 : vector<128x1536xf32>
    %add3A_213 = vector.broadcast %get3A_33 : vector<128x1xf32> to vector<128x1536xf32>
    %add3A_214 = arith.addf %add3A_212, %add3A_213 : vector<128x1536xf32>
    %slice3A_215 = vector.extract_strided_slice %add3A_51 {offsets = [0, 1344], sizes = [128, 192], strides = [1, 1]} : vector<128x1536xf32> to vector<128x192xf32>
    %slice3A_216 = vector.extract_strided_slice %add3A_56 {offsets = [0, 0], sizes = [128, 1344], strides = [1, 1]} : vector<128x1536xf32> to vector<128x1344xf32>
    %concatenate3A_217 = tpu.concatenate %slice3A_215, %slice3A_216 in 1 : vector<128x192xf32>, vector<128x1344xf32> -> vector<128x1536xf32>
    %slice3A_218 = vector.extract_strided_slice %add3A_56 {offsets = [0, 192], sizes = [128, 1344], strides = [1, 1]} : vector<128x1536xf32> to vector<128x1344xf32>
    %slice3A_219 = vector.extract_strided_slice %add3A_41 {offsets = [0, 0], sizes = [128, 192], strides = [1, 1]} : vector<128x1536xf32> to vector<128x192xf32>
    %concatenate3A_220 = tpu.concatenate %slice3A_218, %slice3A_219 in 1 : vector<128x1344xf32>, vector<128x192xf32> -> vector<128x1536xf32>
    %add3A_221 = arith.addf %concatenate3A_217, %add3A_76 : vector<128x1536xf32>
    %ge3A_222 = arith.constant 0.000000e+00 : f32
    %ge3A_223 = vector.broadcast %ge3A_222 : f32 to vector<128x1536xf32>
    %ge3A_224 = arith.cmpf oge, %add3A_221, %ge3A_223 : vector<128x1536xf32>
    %mul3A_225 = arith.constant 2.000000e-01 : f32
    %mul3A_226 = vector.broadcast %mul3A_225 : f32 to vector<128x1536xf32>
    %mul3A_227 = arith.mulf %mul3A_226, %add3A_221 : vector<128x1536xf32>
    %select_n3A_228 = arith.select %ge3A_224, %add3A_221, %mul3A_227 : vector<128x1536xi1>, vector<128x1536xf32>
    %dot_general3A_229 = arith.constant dense<0.000000e+00> : vector<8x1536xf32>
    %dot_general3A_230 = tpu.matmul %get3A_36, %select_n3A_228, %dot_general3A_229 {dimension_numbers = #tpu.dot_dimension_numbers<[1], [0], [0], [1], [0, 0, 1, 1], [], []>, transpose_lhs_hint = false} : vector<8x128xf32>, vector<128x1536xf32>, vector<8x1536xf32> -> vector<8x1536xf32>
    %add3A_231 = arith.addf %concatenate3A_220, %add3A_76 : vector<128x1536xf32>
    %ge3A_232 = arith.constant 0.000000e+00 : f32
    %ge3A_233 = vector.broadcast %ge3A_232 : f32 to vector<128x1536xf32>
    %ge3A_234 = arith.cmpf oge, %add3A_231, %ge3A_233 : vector<128x1536xf32>
    %mul3A_235 = arith.constant 2.000000e-01 : f32
    %mul3A_236 = vector.broadcast %mul3A_235 : f32 to vector<128x1536xf32>
    %mul3A_237 = arith.mulf %mul3A_236, %add3A_231 : vector<128x1536xf32>
    %select_n3A_238 = arith.select %ge3A_234, %add3A_231, %mul3A_237 : vector<128x1536xi1>, vector<128x1536xf32>
    %dot_general3A_239 = arith.constant dense<0.000000e+00> : vector<8x1536xf32>
    %dot_general3A_240 = tpu.matmul %get3A_36, %select_n3A_238, %dot_general3A_239 {dimension_numbers = #tpu.dot_dimension_numbers<[1], [0], [0], [1], [0, 0, 1, 1], [], []>, transpose_lhs_hint = false} : vector<8x128xf32>, vector<128x1536xf32>, vector<8x1536xf32> -> vector<8x1536xf32>
    %max3A_241 = arith.maximumf %dot_general3A_230, %dot_general3A_240 : vector<8x1536xf32>
    %sub3A_242 = arith.subf %dot_general3A_230, %max3A_241 : vector<8x1536xf32>
    %exp3A_243 = math.exp %sub3A_242 : vector<8x1536xf32>
    %sub3A_244 = arith.subf %dot_general3A_240, %max3A_241 : vector<8x1536xf32>
    %exp3A_245 = math.exp %sub3A_244 : vector<8x1536xf32>
    %add3A_246 = arith.addf %exp3A_243, %exp3A_245 : vector<8x1536xf32>
    %add3A_247 = arith.constant 1.000000e-16 : f32
    %add3A_248 = vector.broadcast %add3A_247 : f32 to vector<8x1536xf32>
    %add3A_249 = arith.addf %add3A_246, %add3A_248 : vector<8x1536xf32>
    %div3A_250 = arith.constant 1.000000e+00 : f32
    %div3A_251 = vector.broadcast %div3A_250 : f32 to vector<8x1536xf32>
    %div3A_252 = arith.divf %div3A_251, %add3A_249 : vector<8x1536xf32>
    %mul3A_253 = arith.mulf %exp3A_243, %div3A_252 : vector<8x1536xf32>
    %dot_general3A_254 = arith.constant dense<0.000000e+00> : vector<128x1536xf32>
    %dot_general3A_255 = tpu.matmul %get3A_39, %mul3A_253, %dot_general3A_254 {dimension_numbers = #tpu.dot_dimension_numbers<[1], [0], [0], [1], [0, 0, 1, 1], [], []>, transpose_lhs_hint = false} : vector<128x8xf32>, vector<8x1536xf32>, vector<128x1536xf32> -> vector<128x1536xf32>
    %mul3A_256 = arith.mulf %exp3A_245, %div3A_252 : vector<8x1536xf32>
    %dot_general3A_257 = arith.constant dense<0.000000e+00> : vector<128x1536xf32>
    %dot_general3A_258 = tpu.matmul %get3A_39, %mul3A_256, %dot_general3A_257 {dimension_numbers = #tpu.dot_dimension_numbers<[1], [0], [0], [1], [0, 0, 1, 1], [], []>, transpose_lhs_hint = false} : vector<128x8xf32>, vector<8x1536xf32>, vector<128x1536xf32> -> vector<128x1536xf32>
    %mul3A_259 = arith.mulf %dot_general3A_255, %concatenate3A_217 : vector<128x1536xf32>
    %mul3A_260 = arith.mulf %dot_general3A_258, %concatenate3A_220 : vector<128x1536xf32>
    %add3A_261 = arith.addf %mul3A_259, %mul3A_260 : vector<128x1536xf32>
    %add3A_262 = vector.broadcast %get3A_33 : vector<128x1xf32> to vector<128x1536xf32>
    %add3A_263 = arith.addf %add3A_261, %add3A_262 : vector<128x1536xf32>
    %max3A_264 = arith.constant 0.000000e+00 : f32
    %max3A_265 = vector.broadcast %max3A_264 : f32 to vector<128x1536xf32>
    %max3A_266 = arith.maximumf %add3A_116, %max3A_265 : vector<128x1536xf32>
    %max3A_267 = arith.constant 0.000000e+00 : f32
    %max3A_268 = vector.broadcast %max3A_267 : f32 to vector<128x1536xf32>
    %max3A_269 = arith.maximumf %add3A_165, %max3A_268 : vector<128x1536xf32>
    %max3A_270 = arith.constant 0.000000e+00 : f32
    %max3A_271 = vector.broadcast %max3A_270 : f32 to vector<128x1536xf32>
    %max3A_272 = arith.maximumf %add3A_214, %max3A_271 : vector<128x1536xf32>
    %max3A_273 = arith.constant 0.000000e+00 : f32
    %max3A_274 = vector.broadcast %max3A_273 : f32 to vector<128x1536xf32>
    %max3A_275 = arith.maximumf %add3A_263, %max3A_274 : vector<128x1536xf32>
    %get3A_276 = arith.constant 0 : index
    %get3A_277 = arith.constant 0 : index
    %get3A_278 = vector.load %arg10[%get3A_276, %get3A_277] : memref<128x128xbf16, #tpu.memory_space<vmem>>, vector<128x128xbf16>
    %get3A_279 = arith.constant 0 : index
    %get3A_280 = arith.constant 0 : index
    %get3A_281 = vector.load %arg11[%get3A_279, %get3A_280] : memref<128x128xbf16, #tpu.memory_space<vmem>>, vector<128x128xbf16>
    %get3A_282 = arith.constant 0 : index
    %get3A_283 = arith.constant 0 : index
    %get3A_284 = vector.load %arg12[%get3A_282, %get3A_283] : memref<128x1xf32, #tpu.memory_space<vmem>>, vector<128x1xf32>
    %get3A_285 = arith.constant 0 : index
    %get3A_286 = arith.constant 0 : index
    %get3A_287 = vector.load %arg13[%get3A_285, %get3A_286] : memref<128x1xf32, #tpu.memory_space<vmem>>, vector<128x1xf32>
    %get3A_288 = arith.constant 0 : index
    %get3A_289 = arith.constant 0 : index
    %get3A_290 = vector.load %arg14[%get3A_288, %get3A_289] : memref<128x1xf32, #tpu.memory_space<vmem>>, vector<128x1xf32>
    %get3A_291 = arith.constant 0 : index
    %get3A_292 = arith.constant 0 : index
    %get3A_293 = vector.load %arg16[%get3A_291, %get3A_292] : memref<8x128xf32, #tpu.memory_space<vmem>>, vector<8x128xf32>
    %get3A_294 = arith.constant 0 : index
    %get3A_295 = arith.constant 0 : index
    %get3A_296 = vector.load %arg17[%get3A_294, %get3A_295] : memref<128x8xf32, #tpu.memory_space<vmem>>, vector<128x8xf32>
    %convert_element_type3A_297 = arith.truncf %max3A_266 : vector<128x1536xf32> to vector<128x1536xbf16>
    %dot_general3A_298 = arith.constant dense<0.000000e+00> : vector<128x1536xf32>
    %dot_general3A_299 = tpu.matmul %get3A_278, %convert_element_type3A_297, %dot_general3A_298 {dimension_numbers = #tpu.dot_dimension_numbers<[1], [0], [0], [1], [0, 0, 1, 1], [], []>, transpose_lhs_hint = false} : vector<128x128xbf16>, vector<128x1536xbf16>, vector<128x1536xf32> -> vector<128x1536xf32>
    %add3A_300 = vector.broadcast %get3A_284 : vector<128x1xf32> to vector<128x1536xf32>
    %add3A_301 = arith.addf %dot_general3A_299, %add3A_300 : vector<128x1536xf32>
    %convert_element_type3A_302 = arith.truncf %max3A_269 : vector<128x1536xf32> to vector<128x1536xbf16>
    %dot_general3A_303 = arith.constant dense<0.000000e+00> : vector<128x1536xf32>
    %dot_general3A_304 = tpu.matmul %get3A_278, %convert_element_type3A_302, %dot_general3A_303 {dimension_numbers = #tpu.dot_dimension_numbers<[1], [0], [0], [1], [0, 0, 1, 1], [], []>, transpose_lhs_hint = false} : vector<128x128xbf16>, vector<128x1536xbf16>, vector<128x1536xf32> -> vector<128x1536xf32>
    %add3A_305 = vector.broadcast %get3A_284 : vector<128x1xf32> to vector<128x1536xf32>
    %add3A_306 = arith.addf %dot_general3A_304, %add3A_305 : vector<128x1536xf32>
    %convert_element_type3A_307 = arith.truncf %max3A_272 : vector<128x1536xf32> to vector<128x1536xbf16>
    %dot_general3A_308 = arith.constant dense<0.000000e+00> : vector<128x1536xf32>
    %dot_general3A_309 = tpu.matmul %get3A_278, %convert_element_type3A_307, %dot_general3A_308 {dimension_numbers = #tpu.dot_dimension_numbers<[1], [0], [0], [1], [0, 0, 1, 1], [], []>, transpose_lhs_hint = false} : vector<128x128xbf16>, vector<128x1536xbf16>, vector<128x1536xf32> -> vector<128x1536xf32>
    %add3A_310 = vector.broadcast %get3A_284 : vector<128x1xf32> to vector<128x1536xf32>
    %add3A_311 = arith.addf %dot_general3A_309, %add3A_310 : vector<128x1536xf32>
    %convert_element_type3A_312 = arith.truncf %max3A_275 : vector<128x1536xf32> to vector<128x1536xbf16>
    %dot_general3A_313 = arith.constant dense<0.000000e+00> : vector<128x1536xf32>
    %dot_general3A_314 = tpu.matmul %get3A_278, %convert_element_type3A_312, %dot_general3A_313 {dimension_numbers = #tpu.dot_dimension_numbers<[1], [0], [0], [1], [0, 0, 1, 1], [], []>, transpose_lhs_hint = false} : vector<128x128xbf16>, vector<128x1536xbf16>, vector<128x1536xf32> -> vector<128x1536xf32>
    %add3A_315 = vector.broadcast %get3A_284 : vector<128x1xf32> to vector<128x1536xf32>
    %add3A_316 = arith.addf %dot_general3A_314, %add3A_315 : vector<128x1536xf32>
    %convert_element_type3A_317 = arith.truncf %max3A_266 : vector<128x1536xf32> to vector<128x1536xbf16>
    %dot_general3A_318 = arith.constant dense<0.000000e+00> : vector<128x1536xf32>
    %dot_general3A_319 = tpu.matmul %get3A_281, %convert_element_type3A_317, %dot_general3A_318 {dimension_numbers = #tpu.dot_dimension_numbers<[1], [0], [0], [1], [0, 0, 1, 1], [], []>, transpose_lhs_hint = false} : vector<128x128xbf16>, vector<128x1536xbf16>, vector<128x1536xf32> -> vector<128x1536xf32>
    %add3A_320 = vector.broadcast %get3A_287 : vector<128x1xf32> to vector<128x1536xf32>
    %add3A_321 = arith.addf %dot_general3A_319, %add3A_320 : vector<128x1536xf32>
    %convert_element_type3A_322 = arith.truncf %max3A_269 : vector<128x1536xf32> to vector<128x1536xbf16>
    %dot_general3A_323 = arith.constant dense<0.000000e+00> : vector<128x1536xf32>
    %dot_general3A_324 = tpu.matmul %get3A_281, %convert_element_type3A_322, %dot_general3A_323 {dimension_numbers = #tpu.dot_dimension_numbers<[1], [0], [0], [1], [0, 0, 1, 1], [], []>, transpose_lhs_hint = false} : vector<128x128xbf16>, vector<128x1536xbf16>, vector<128x1536xf32> -> vector<128x1536xf32>
    %add3A_325 = vector.broadcast %get3A_287 : vector<128x1xf32> to vector<128x1536xf32>
    %add3A_326 = arith.addf %dot_general3A_324, %add3A_325 : vector<128x1536xf32>
    %convert_element_type3A_327 = arith.truncf %max3A_272 : vector<128x1536xf32> to vector<128x1536xbf16>
    %dot_general3A_328 = arith.constant dense<0.000000e+00> : vector<128x1536xf32>
    %dot_general3A_329 = tpu.matmul %get3A_281, %convert_element_type3A_327, %dot_general3A_328 {dimension_numbers = #tpu.dot_dimension_numbers<[1], [0], [0], [1], [0, 0, 1, 1], [], []>, transpose_lhs_hint = false} : vector<128x128xbf16>, vector<128x1536xbf16>, vector<128x1536xf32> -> vector<128x1536xf32>
    %add3A_330 = vector.broadcast %get3A_287 : vector<128x1xf32> to vector<128x1536xf32>
    %add3A_331 = arith.addf %dot_general3A_329, %add3A_330 : vector<128x1536xf32>
    %convert_element_type3A_332 = arith.truncf %max3A_275 : vector<128x1536xf32> to vector<128x1536xbf16>
    %dot_general3A_333 = arith.constant dense<0.000000e+00> : vector<128x1536xf32>
    %dot_general3A_334 = tpu.matmul %get3A_281, %convert_element_type3A_332, %dot_general3A_333 {dimension_numbers = #tpu.dot_dimension_numbers<[1], [0], [0], [1], [0, 0, 1, 1], [], []>, transpose_lhs_hint = false} : vector<128x128xbf16>, vector<128x1536xbf16>, vector<128x1536xf32> -> vector<128x1536xf32>
    %add3A_335 = vector.broadcast %get3A_287 : vector<128x1xf32> to vector<128x1536xf32>
    %add3A_336 = arith.addf %dot_general3A_334, %add3A_335 : vector<128x1536xf32>
    %slice3A_337 = vector.extract_strided_slice %add3A_316 {offsets = [0, 1344], sizes = [128, 192], strides = [1, 1]} : vector<128x1536xf32> to vector<128x192xf32>
    %slice3A_338 = vector.extract_strided_slice %add3A_301 {offsets = [0, 0], sizes = [128, 1344], strides = [1, 1]} : vector<128x1536xf32> to vector<128x1344xf32>
    %concatenate3A_339 = tpu.concatenate %slice3A_337, %slice3A_338 in 1 : vector<128x192xf32>, vector<128x1344xf32> -> vector<128x1536xf32>
    %slice3A_340 = vector.extract_strided_slice %add3A_301 {offsets = [0, 192], sizes = [128, 1344], strides = [1, 1]} : vector<128x1536xf32> to vector<128x1344xf32>
    %slice3A_341 = vector.extract_strided_slice %add3A_306 {offsets = [0, 0], sizes = [128, 192], strides = [1, 1]} : vector<128x1536xf32> to vector<128x192xf32>
    %concatenate3A_342 = tpu.concatenate %slice3A_340, %slice3A_341 in 1 : vector<128x1344xf32>, vector<128x192xf32> -> vector<128x1536xf32>
    %add3A_343 = arith.addf %concatenate3A_339, %add3A_321 : vector<128x1536xf32>
    %ge3A_344 = arith.constant 0.000000e+00 : f32
    %ge3A_345 = vector.broadcast %ge3A_344 : f32 to vector<128x1536xf32>
    %ge3A_346 = arith.cmpf oge, %add3A_343, %ge3A_345 : vector<128x1536xf32>
    %mul3A_347 = arith.constant 2.000000e-01 : f32
    %mul3A_348 = vector.broadcast %mul3A_347 : f32 to vector<128x1536xf32>
    %mul3A_349 = arith.mulf %mul3A_348, %add3A_343 : vector<128x1536xf32>
    %select_n3A_350 = arith.select %ge3A_346, %add3A_343, %mul3A_349 : vector<128x1536xi1>, vector<128x1536xf32>
    %dot_general3A_351 = arith.constant dense<0.000000e+00> : vector<8x1536xf32>
    %dot_general3A_352 = tpu.matmul %get3A_293, %select_n3A_350, %dot_general3A_351 {dimension_numbers = #tpu.dot_dimension_numbers<[1], [0], [0], [1], [0, 0, 1, 1], [], []>, transpose_lhs_hint = false} : vector<8x128xf32>, vector<128x1536xf32>, vector<8x1536xf32> -> vector<8x1536xf32>
    %add3A_353 = arith.addf %concatenate3A_342, %add3A_321 : vector<128x1536xf32>
    %ge3A_354 = arith.constant 0.000000e+00 : f32
    %ge3A_355 = vector.broadcast %ge3A_354 : f32 to vector<128x1536xf32>
    %ge3A_356 = arith.cmpf oge, %add3A_353, %ge3A_355 : vector<128x1536xf32>
    %mul3A_357 = arith.constant 2.000000e-01 : f32
    %mul3A_358 = vector.broadcast %mul3A_357 : f32 to vector<128x1536xf32>
    %mul3A_359 = arith.mulf %mul3A_358, %add3A_353 : vector<128x1536xf32>
    %select_n3A_360 = arith.select %ge3A_356, %add3A_353, %mul3A_359 : vector<128x1536xi1>, vector<128x1536xf32>
    %dot_general3A_361 = arith.constant dense<0.000000e+00> : vector<8x1536xf32>
    %dot_general3A_362 = tpu.matmul %get3A_293, %select_n3A_360, %dot_general3A_361 {dimension_numbers = #tpu.dot_dimension_numbers<[1], [0], [0], [1], [0, 0, 1, 1], [], []>, transpose_lhs_hint = false} : vector<8x128xf32>, vector<128x1536xf32>, vector<8x1536xf32> -> vector<8x1536xf32>
    %max3A_363 = arith.maximumf %dot_general3A_352, %dot_general3A_362 : vector<8x1536xf32>
    %sub3A_364 = arith.subf %dot_general3A_352, %max3A_363 : vector<8x1536xf32>
    %exp3A_365 = math.exp %sub3A_364 : vector<8x1536xf32>
    %sub3A_366 = arith.subf %dot_general3A_362, %max3A_363 : vector<8x1536xf32>
    %exp3A_367 = math.exp %sub3A_366 : vector<8x1536xf32>
    %add3A_368 = arith.addf %exp3A_365, %exp3A_367 : vector<8x1536xf32>
    %add3A_369 = arith.constant 1.000000e-16 : f32
    %add3A_370 = vector.broadcast %add3A_369 : f32 to vector<8x1536xf32>
    %add3A_371 = arith.addf %add3A_368, %add3A_370 : vector<8x1536xf32>
    %div3A_372 = arith.constant 1.000000e+00 : f32
    %div3A_373 = vector.broadcast %div3A_372 : f32 to vector<8x1536xf32>
    %div3A_374 = arith.divf %div3A_373, %add3A_371 : vector<8x1536xf32>
    %mul3A_375 = arith.mulf %exp3A_365, %div3A_374 : vector<8x1536xf32>
    %dot_general3A_376 = arith.constant dense<0.000000e+00> : vector<128x1536xf32>
    %dot_general3A_377 = tpu.matmul %get3A_296, %mul3A_375, %dot_general3A_376 {dimension_numbers = #tpu.dot_dimension_numbers<[1], [0], [0], [1], [0, 0, 1, 1], [], []>, transpose_lhs_hint = false} : vector<128x8xf32>, vector<8x1536xf32>, vector<128x1536xf32> -> vector<128x1536xf32>
    %mul3A_378 = arith.mulf %exp3A_367, %div3A_374 : vector<8x1536xf32>
    %dot_general3A_379 = arith.constant dense<0.000000e+00> : vector<128x1536xf32>
    %dot_general3A_380 = tpu.matmul %get3A_296, %mul3A_378, %dot_general3A_379 {dimension_numbers = #tpu.dot_dimension_numbers<[1], [0], [0], [1], [0, 0, 1, 1], [], []>, transpose_lhs_hint = false} : vector<128x8xf32>, vector<8x1536xf32>, vector<128x1536xf32> -> vector<128x1536xf32>
    %mul3A_381 = arith.mulf %dot_general3A_377, %concatenate3A_339 : vector<128x1536xf32>
    %mul3A_382 = arith.mulf %dot_general3A_380, %concatenate3A_342 : vector<128x1536xf32>
    %add3A_383 = arith.addf %mul3A_381, %mul3A_382 : vector<128x1536xf32>
    %add3A_384 = vector.broadcast %get3A_290 : vector<128x1xf32> to vector<128x1536xf32>
    %add3A_385 = arith.addf %add3A_383, %add3A_384 : vector<128x1536xf32>
    %slice3A_386 = vector.extract_strided_slice %add3A_301 {offsets = [0, 1344], sizes = [128, 192], strides = [1, 1]} : vector<128x1536xf32> to vector<128x192xf32>
    %slice3A_387 = vector.extract_strided_slice %add3A_306 {offsets = [0, 0], sizes = [128, 1344], strides = [1, 1]} : vector<128x1536xf32> to vector<128x1344xf32>
    %concatenate3A_388 = tpu.concatenate %slice3A_386, %slice3A_387 in 1 : vector<128x192xf32>, vector<128x1344xf32> -> vector<128x1536xf32>
    %slice3A_389 = vector.extract_strided_slice %add3A_306 {offsets = [0, 192], sizes = [128, 1344], strides = [1, 1]} : vector<128x1536xf32> to vector<128x1344xf32>
    %slice3A_390 = vector.extract_strided_slice %add3A_311 {offsets = [0, 0], sizes = [128, 192], strides = [1, 1]} : vector<128x1536xf32> to vector<128x192xf32>
    %concatenate3A_391 = tpu.concatenate %slice3A_389, %slice3A_390 in 1 : vector<128x1344xf32>, vector<128x192xf32> -> vector<128x1536xf32>
    %add3A_392 = arith.addf %concatenate3A_388, %add3A_326 : vector<128x1536xf32>
    %ge3A_393 = arith.constant 0.000000e+00 : f32
    %ge3A_394 = vector.broadcast %ge3A_393 : f32 to vector<128x1536xf32>
    %ge3A_395 = arith.cmpf oge, %add3A_392, %ge3A_394 : vector<128x1536xf32>
    %mul3A_396 = arith.constant 2.000000e-01 : f32
    %mul3A_397 = vector.broadcast %mul3A_396 : f32 to vector<128x1536xf32>
    %mul3A_398 = arith.mulf %mul3A_397, %add3A_392 : vector<128x1536xf32>
    %select_n3A_399 = arith.select %ge3A_395, %add3A_392, %mul3A_398 : vector<128x1536xi1>, vector<128x1536xf32>
    %dot_general3A_400 = arith.constant dense<0.000000e+00> : vector<8x1536xf32>
    %dot_general3A_401 = tpu.matmul %get3A_293, %select_n3A_399, %dot_general3A_400 {dimension_numbers = #tpu.dot_dimension_numbers<[1], [0], [0], [1], [0, 0, 1, 1], [], []>, transpose_lhs_hint = false} : vector<8x128xf32>, vector<128x1536xf32>, vector<8x1536xf32> -> vector<8x1536xf32>
    %add3A_402 = arith.addf %concatenate3A_391, %add3A_326 : vector<128x1536xf32>
    %ge3A_403 = arith.constant 0.000000e+00 : f32
    %ge3A_404 = vector.broadcast %ge3A_403 : f32 to vector<128x1536xf32>
    %ge3A_405 = arith.cmpf oge, %add3A_402, %ge3A_404 : vector<128x1536xf32>
    %mul3A_406 = arith.constant 2.000000e-01 : f32
    %mul3A_407 = vector.broadcast %mul3A_406 : f32 to vector<128x1536xf32>
    %mul3A_408 = arith.mulf %mul3A_407, %add3A_402 : vector<128x1536xf32>
    %select_n3A_409 = arith.select %ge3A_405, %add3A_402, %mul3A_408 : vector<128x1536xi1>, vector<128x1536xf32>
    %dot_general3A_410 = arith.constant dense<0.000000e+00> : vector<8x1536xf32>
    %dot_general3A_411 = tpu.matmul %get3A_293, %select_n3A_409, %dot_general3A_410 {dimension_numbers = #tpu.dot_dimension_numbers<[1], [0], [0], [1], [0, 0, 1, 1], [], []>, transpose_lhs_hint = false} : vector<8x128xf32>, vector<128x1536xf32>, vector<8x1536xf32> -> vector<8x1536xf32>
    %max3A_412 = arith.maximumf %dot_general3A_401, %dot_general3A_411 : vector<8x1536xf32>
    %sub3A_413 = arith.subf %dot_general3A_401, %max3A_412 : vector<8x1536xf32>
    %exp3A_414 = math.exp %sub3A_413 : vector<8x1536xf32>
    %sub3A_415 = arith.subf %dot_general3A_411, %max3A_412 : vector<8x1536xf32>
    %exp3A_416 = math.exp %sub3A_415 : vector<8x1536xf32>
    %add3A_417 = arith.addf %exp3A_414, %exp3A_416 : vector<8x1536xf32>
    %add3A_418 = arith.constant 1.000000e-16 : f32
    %add3A_419 = vector.broadcast %add3A_418 : f32 to vector<8x1536xf32>
    %add3A_420 = arith.addf %add3A_417, %add3A_419 : vector<8x1536xf32>
    %div3A_421 = arith.constant 1.000000e+00 : f32
    %div3A_422 = vector.broadcast %div3A_421 : f32 to vector<8x1536xf32>
    %div3A_423 = arith.divf %div3A_422, %add3A_420 : vector<8x1536xf32>
    %mul3A_424 = arith.mulf %exp3A_414, %div3A_423 : vector<8x1536xf32>
    %dot_general3A_425 = arith.constant dense<0.000000e+00> : vector<128x1536xf32>
    %dot_general3A_426 = tpu.matmul %get3A_296, %mul3A_424, %dot_general3A_425 {dimension_numbers = #tpu.dot_dimension_numbers<[1], [0], [0], [1], [0, 0, 1, 1], [], []>, transpose_lhs_hint = false} : vector<128x8xf32>, vector<8x1536xf32>, vector<128x1536xf32> -> vector<128x1536xf32>
    %mul3A_427 = arith.mulf %exp3A_416, %div3A_423 : vector<8x1536xf32>
    %dot_general3A_428 = arith.constant dense<0.000000e+00> : vector<128x1536xf32>
    %dot_general3A_429 = tpu.matmul %get3A_296, %mul3A_427, %dot_general3A_428 {dimension_numbers = #tpu.dot_dimension_numbers<[1], [0], [0], [1], [0, 0, 1, 1], [], []>, transpose_lhs_hint = false} : vector<128x8xf32>, vector<8x1536xf32>, vector<128x1536xf32> -> vector<128x1536xf32>
    %mul3A_430 = arith.mulf %dot_general3A_426, %concatenate3A_388 : vector<128x1536xf32>
    %mul3A_431 = arith.mulf %dot_general3A_429, %concatenate3A_391 : vector<128x1536xf32>
    %add3A_432 = arith.addf %mul3A_430, %mul3A_431 : vector<128x1536xf32>
    %add3A_433 = vector.broadcast %get3A_290 : vector<128x1xf32> to vector<128x1536xf32>
    %add3A_434 = arith.addf %add3A_432, %add3A_433 : vector<128x1536xf32>
    %slice3A_435 = vector.extract_strided_slice %add3A_306 {offsets = [0, 1344], sizes = [128, 192], strides = [1, 1]} : vector<128x1536xf32> to vector<128x192xf32>
    %slice3A_436 = vector.extract_strided_slice %add3A_311 {offsets = [0, 0], sizes = [128, 1344], strides = [1, 1]} : vector<128x1536xf32> to vector<128x1344xf32>
    %concatenate3A_437 = tpu.concatenate %slice3A_435, %slice3A_436 in 1 : vector<128x192xf32>, vector<128x1344xf32> -> vector<128x1536xf32>
    %slice3A_438 = vector.extract_strided_slice %add3A_311 {offsets = [0, 192], sizes = [128, 1344], strides = [1, 1]} : vector<128x1536xf32> to vector<128x1344xf32>
    %slice3A_439 = vector.extract_strided_slice %add3A_316 {offsets = [0, 0], sizes = [128, 192], strides = [1, 1]} : vector<128x1536xf32> to vector<128x192xf32>
    %concatenate3A_440 = tpu.concatenate %slice3A_438, %slice3A_439 in 1 : vector<128x1344xf32>, vector<128x192xf32> -> vector<128x1536xf32>
    %add3A_441 = arith.addf %concatenate3A_437, %add3A_331 : vector<128x1536xf32>
    %ge3A_442 = arith.constant 0.000000e+00 : f32
    %ge3A_443 = vector.broadcast %ge3A_442 : f32 to vector<128x1536xf32>
    %ge3A_444 = arith.cmpf oge, %add3A_441, %ge3A_443 : vector<128x1536xf32>
    %mul3A_445 = arith.constant 2.000000e-01 : f32
    %mul3A_446 = vector.broadcast %mul3A_445 : f32 to vector<128x1536xf32>
    %mul3A_447 = arith.mulf %mul3A_446, %add3A_441 : vector<128x1536xf32>
    %select_n3A_448 = arith.select %ge3A_444, %add3A_441, %mul3A_447 : vector<128x1536xi1>, vector<128x1536xf32>
    %dot_general3A_449 = arith.constant dense<0.000000e+00> : vector<8x1536xf32>
    %dot_general3A_450 = tpu.matmul %get3A_293, %select_n3A_448, %dot_general3A_449 {dimension_numbers = #tpu.dot_dimension_numbers<[1], [0], [0], [1], [0, 0, 1, 1], [], []>, transpose_lhs_hint = false} : vector<8x128xf32>, vector<128x1536xf32>, vector<8x1536xf32> -> vector<8x1536xf32>
    %add3A_451 = arith.addf %concatenate3A_440, %add3A_331 : vector<128x1536xf32>
    %ge3A_452 = arith.constant 0.000000e+00 : f32
    %ge3A_453 = vector.broadcast %ge3A_452 : f32 to vector<128x1536xf32>
    %ge3A_454 = arith.cmpf oge, %add3A_451, %ge3A_453 : vector<128x1536xf32>
    %mul3A_455 = arith.constant 2.000000e-01 : f32
    %mul3A_456 = vector.broadcast %mul3A_455 : f32 to vector<128x1536xf32>
    %mul3A_457 = arith.mulf %mul3A_456, %add3A_451 : vector<128x1536xf32>
    %select_n3A_458 = arith.select %ge3A_454, %add3A_451, %mul3A_457 : vector<128x1536xi1>, vector<128x1536xf32>
    %dot_general3A_459 = arith.constant dense<0.000000e+00> : vector<8x1536xf32>
    %dot_general3A_460 = tpu.matmul %get3A_293, %select_n3A_458, %dot_general3A_459 {dimension_numbers = #tpu.dot_dimension_numbers<[1], [0], [0], [1], [0, 0, 1, 1], [], []>, transpose_lhs_hint = false} : vector<8x128xf32>, vector<128x1536xf32>, vector<8x1536xf32> -> vector<8x1536xf32>
    %max3A_461 = arith.maximumf %dot_general3A_450, %dot_general3A_460 : vector<8x1536xf32>
    %sub3A_462 = arith.subf %dot_general3A_450, %max3A_461 : vector<8x1536xf32>
    %exp3A_463 = math.exp %sub3A_462 : vector<8x1536xf32>
    %sub3A_464 = arith.subf %dot_general3A_460, %max3A_461 : vector<8x1536xf32>
    %exp3A_465 = math.exp %sub3A_464 : vector<8x1536xf32>
    %add3A_466 = arith.addf %exp3A_463, %exp3A_465 : vector<8x1536xf32>
    %add3A_467 = arith.constant 1.000000e-16 : f32
    %add3A_468 = vector.broadcast %add3A_467 : f32 to vector<8x1536xf32>
    %add3A_469 = arith.addf %add3A_466, %add3A_468 : vector<8x1536xf32>
    %div3A_470 = arith.constant 1.000000e+00 : f32
    %div3A_471 = vector.broadcast %div3A_470 : f32 to vector<8x1536xf32>
    %div3A_472 = arith.divf %div3A_471, %add3A_469 : vector<8x1536xf32>
    %mul3A_473 = arith.mulf %exp3A_463, %div3A_472 : vector<8x1536xf32>
    %dot_general3A_474 = arith.constant dense<0.000000e+00> : vector<128x1536xf32>
    %dot_general3A_475 = tpu.matmul %get3A_296, %mul3A_473, %dot_general3A_474 {dimension_numbers = #tpu.dot_dimension_numbers<[1], [0], [0], [1], [0, 0, 1, 1], [], []>, transpose_lhs_hint = false} : vector<128x8xf32>, vector<8x1536xf32>, vector<128x1536xf32> -> vector<128x1536xf32>
    %mul3A_476 = arith.mulf %exp3A_465, %div3A_472 : vector<8x1536xf32>
    %dot_general3A_477 = arith.constant dense<0.000000e+00> : vector<128x1536xf32>
    %dot_general3A_478 = tpu.matmul %get3A_296, %mul3A_476, %dot_general3A_477 {dimension_numbers = #tpu.dot_dimension_numbers<[1], [0], [0], [1], [0, 0, 1, 1], [], []>, transpose_lhs_hint = false} : vector<128x8xf32>, vector<8x1536xf32>, vector<128x1536xf32> -> vector<128x1536xf32>
    %mul3A_479 = arith.mulf %dot_general3A_475, %concatenate3A_437 : vector<128x1536xf32>
    %mul3A_480 = arith.mulf %dot_general3A_478, %concatenate3A_440 : vector<128x1536xf32>
    %add3A_481 = arith.addf %mul3A_479, %mul3A_480 : vector<128x1536xf32>
    %add3A_482 = vector.broadcast %get3A_290 : vector<128x1xf32> to vector<128x1536xf32>
    %add3A_483 = arith.addf %add3A_481, %add3A_482 : vector<128x1536xf32>
    %slice3A_484 = vector.extract_strided_slice %add3A_311 {offsets = [0, 1344], sizes = [128, 192], strides = [1, 1]} : vector<128x1536xf32> to vector<128x192xf32>
    %slice3A_485 = vector.extract_strided_slice %add3A_316 {offsets = [0, 0], sizes = [128, 1344], strides = [1, 1]} : vector<128x1536xf32> to vector<128x1344xf32>
    %concatenate3A_486 = tpu.concatenate %slice3A_484, %slice3A_485 in 1 : vector<128x192xf32>, vector<128x1344xf32> -> vector<128x1536xf32>
    %slice3A_487 = vector.extract_strided_slice %add3A_316 {offsets = [0, 192], sizes = [128, 1344], strides = [1, 1]} : vector<128x1536xf32> to vector<128x1344xf32>
    %slice3A_488 = vector.extract_strided_slice %add3A_301 {offsets = [0, 0], sizes = [128, 192], strides = [1, 1]} : vector<128x1536xf32> to vector<128x192xf32>
    %concatenate3A_489 = tpu.concatenate %slice3A_487, %slice3A_488 in 1 : vector<128x1344xf32>, vector<128x192xf32> -> vector<128x1536xf32>
    %add3A_490 = arith.addf %concatenate3A_486, %add3A_336 : vector<128x1536xf32>
    %ge3A_491 = arith.constant 0.000000e+00 : f32
    %ge3A_492 = vector.broadcast %ge3A_491 : f32 to vector<128x1536xf32>
    %ge3A_493 = arith.cmpf oge, %add3A_490, %ge3A_492 : vector<128x1536xf32>
    %mul3A_494 = arith.constant 2.000000e-01 : f32
    %mul3A_495 = vector.broadcast %mul3A_494 : f32 to vector<128x1536xf32>
    %mul3A_496 = arith.mulf %mul3A_495, %add3A_490 : vector<128x1536xf32>
    %select_n3A_497 = arith.select %ge3A_493, %add3A_490, %mul3A_496 : vector<128x1536xi1>, vector<128x1536xf32>
    %dot_general3A_498 = arith.constant dense<0.000000e+00> : vector<8x1536xf32>
    %dot_general3A_499 = tpu.matmul %get3A_293, %select_n3A_497, %dot_general3A_498 {dimension_numbers = #tpu.dot_dimension_numbers<[1], [0], [0], [1], [0, 0, 1, 1], [], []>, transpose_lhs_hint = false} : vector<8x128xf32>, vector<128x1536xf32>, vector<8x1536xf32> -> vector<8x1536xf32>
    %add3A_500 = arith.addf %concatenate3A_489, %add3A_336 : vector<128x1536xf32>
    %ge3A_501 = arith.constant 0.000000e+00 : f32
    %ge3A_502 = vector.broadcast %ge3A_501 : f32 to vector<128x1536xf32>
    %ge3A_503 = arith.cmpf oge, %add3A_500, %ge3A_502 : vector<128x1536xf32>
    %mul3A_504 = arith.constant 2.000000e-01 : f32
    %mul3A_505 = vector.broadcast %mul3A_504 : f32 to vector<128x1536xf32>
    %mul3A_506 = arith.mulf %mul3A_505, %add3A_500 : vector<128x1536xf32>
    %select_n3A_507 = arith.select %ge3A_503, %add3A_500, %mul3A_506 : vector<128x1536xi1>, vector<128x1536xf32>
    %dot_general3A_508 = arith.constant dense<0.000000e+00> : vector<8x1536xf32>
    %dot_general3A_509 = tpu.matmul %get3A_293, %select_n3A_507, %dot_general3A_508 {dimension_numbers = #tpu.dot_dimension_numbers<[1], [0], [0], [1], [0, 0, 1, 1], [], []>, transpose_lhs_hint = false} : vector<8x128xf32>, vector<128x1536xf32>, vector<8x1536xf32> -> vector<8x1536xf32>
    %max3A_510 = arith.maximumf %dot_general3A_499, %dot_general3A_509 : vector<8x1536xf32>
    %sub3A_511 = arith.subf %dot_general3A_499, %max3A_510 : vector<8x1536xf32>
    %exp3A_512 = math.exp %sub3A_511 : vector<8x1536xf32>
    %sub3A_513 = arith.subf %dot_general3A_509, %max3A_510 : vector<8x1536xf32>
    %exp3A_514 = math.exp %sub3A_513 : vector<8x1536xf32>
    %add3A_515 = arith.addf %exp3A_512, %exp3A_514 : vector<8x1536xf32>
    %add3A_516 = arith.constant 1.000000e-16 : f32
    %add3A_517 = vector.broadcast %add3A_516 : f32 to vector<8x1536xf32>
    %add3A_518 = arith.addf %add3A_515, %add3A_517 : vector<8x1536xf32>
    %div3A_519 = arith.constant 1.000000e+00 : f32
    %div3A_520 = vector.broadcast %div3A_519 : f32 to vector<8x1536xf32>
    %div3A_521 = arith.divf %div3A_520, %add3A_518 : vector<8x1536xf32>
    %mul3A_522 = arith.mulf %exp3A_512, %div3A_521 : vector<8x1536xf32>
    %dot_general3A_523 = arith.constant dense<0.000000e+00> : vector<128x1536xf32>
    %dot_general3A_524 = tpu.matmul %get3A_296, %mul3A_522, %dot_general3A_523 {dimension_numbers = #tpu.dot_dimension_numbers<[1], [0], [0], [1], [0, 0, 1, 1], [], []>, transpose_lhs_hint = false} : vector<128x8xf32>, vector<8x1536xf32>, vector<128x1536xf32> -> vector<128x1536xf32>
    %mul3A_525 = arith.mulf %exp3A_514, %div3A_521 : vector<8x1536xf32>
    %dot_general3A_526 = arith.constant dense<0.000000e+00> : vector<128x1536xf32>
    %dot_general3A_527 = tpu.matmul %get3A_296, %mul3A_525, %dot_general3A_526 {dimension_numbers = #tpu.dot_dimension_numbers<[1], [0], [0], [1], [0, 0, 1, 1], [], []>, transpose_lhs_hint = false} : vector<128x8xf32>, vector<8x1536xf32>, vector<128x1536xf32> -> vector<128x1536xf32>
    %mul3A_528 = arith.mulf %dot_general3A_524, %concatenate3A_486 : vector<128x1536xf32>
    %mul3A_529 = arith.mulf %dot_general3A_527, %concatenate3A_489 : vector<128x1536xf32>
    %add3A_530 = arith.addf %mul3A_528, %mul3A_529 : vector<128x1536xf32>
    %add3A_531 = vector.broadcast %get3A_290 : vector<128x1xf32> to vector<128x1536xf32>
    %add3A_532 = arith.addf %add3A_530, %add3A_531 : vector<128x1536xf32>
    %swap3A = arith.constant 0 : index
    %swap3A_533 = arith.constant 0 : index
    %swap3A_534 = arith.constant 0 : index
    %swap3A_535 = vector.load %arg18[%swap3A, %swap3A_533, %swap3A_534] : memref<1x128x1536xf32, #tpu.memory_space<vmem>>, vector<1x128x1536xf32>
    %swap3A_536 = vector.shape_cast %swap3A_535 : vector<1x128x1536xf32> to vector<128x1536xf32>
    %swap3A_537 = vector.shape_cast %add3A_385 : vector<128x1536xf32> to vector<1x128x1536xf32>
    tpu.vector_store %arg18[%swap3A, %swap3A_533, %swap3A_534], %swap3A_537 {strides = array<i32>} : memref<1x128x1536xf32, #tpu.memory_space<vmem>>, vector<1x128x1536xf32>,
    %swap3A_538 = arith.constant 0 : index
    %swap3A_539 = arith.constant 0 : index
    %swap3A_540 = arith.constant 0 : index
    %swap3A_541 = vector.load %arg19[%swap3A_538, %swap3A_539, %swap3A_540] : memref<1x128x1536xf32, #tpu.memory_space<vmem>>, vector<1x128x1536xf32>
    %swap3A_542 = vector.shape_cast %swap3A_541 : vector<1x128x1536xf32> to vector<128x1536xf32>
    %swap3A_543 = vector.shape_cast %add3A_434 : vector<128x1536xf32> to vector<1x128x1536xf32>
    tpu.vector_store %arg19[%swap3A_538, %swap3A_539, %swap3A_540], %swap3A_543 {strides = array<i32>} : memref<1x128x1536xf32, #tpu.memory_space<vmem>>, vector<1x128x1536xf32>,
    %swap3A_544 = arith.constant 0 : index
    %swap3A_545 = arith.constant 0 : index
    %swap3A_546 = arith.constant 0 : index
    %swap3A_547 = vector.load %arg20[%swap3A_544, %swap3A_545, %swap3A_546] : memref<1x128x1536xf32, #tpu.memory_space<vmem>>, vector<1x128x1536xf32>
    %swap3A_548 = vector.shape_cast %swap3A_547 : vector<1x128x1536xf32> to vector<128x1536xf32>
    %swap3A_549 = vector.shape_cast %add3A_483 : vector<128x1536xf32> to vector<1x128x1536xf32>
    tpu.vector_store %arg20[%swap3A_544, %swap3A_545, %swap3A_546], %swap3A_549 {strides = array<i32>} : memref<1x128x1536xf32, #tpu.memory_space<vmem>>, vector<1x128x1536xf32>,
    %swap3A_550 = arith.constant 0 : index
    %swap3A_551 = arith.constant 0 : index
    %swap3A_552 = arith.constant 0 : index
    %swap3A_553 = vector.load %arg21[%swap3A_550, %swap3A_551, %swap3A_552] : memref<1x128x1536xf32, #tpu.memory_space<vmem>>, vector<1x128x1536xf32>
    %swap3A_554 = vector.shape_cast %swap3A_553 : vector<1x128x1536xf32> to vector<128x1536xf32>
    %swap3A_555 = vector.shape_cast %add3A_532 : vector<128x1536xf32> to vector<1x128x1536xf32>
    tpu.vector_store %arg21[%swap3A_550, %swap3A_551, %swap3A_552], %swap3A_555 {strides = array<i32>} : memref<1x128x1536xf32, #tpu.memory_space<vmem>>, vector<1x128x1536xf32>,
    return
  }
  func.func @transform_0(%arg0: i32) -> (i32, i32, i32) {
    %c0_i32 = arith.constant 0 : i32
    %c0_i32_0 = arith.constant 0 : i32
    %c0_i32_1 = arith.constant 0 : i32
    return %arg0, %c0_i32, %c0_i32_0 : i32, i32, i32
  }
  func.func @transform_1(%arg0: i32) -> (i32, i32, i32) {
    %c0_i32 = arith.constant 0 : i32
    %c1_i32 = arith.constant 1 : i32
    %c0_i32_0 = arith.constant 0 : i32
    return %arg0, %c0_i32, %c1_i32 : i32, i32, i32
  }
  func.func @transform_2(%arg0: i32) -> (i32, i32, i32) {
    %c0_i32 = arith.constant 0 : i32
    %c2_i32 = arith.constant 2 : i32
    %c0_i32_0 = arith.constant 0 : i32
    return %arg0, %c0_i32, %c2_i32 : i32, i32, i32
  }
  func.func @transform_3(%arg0: i32) -> (i32, i32, i32) {
    %c0_i32 = arith.constant 0 : i32
    %c3_i32 = arith.constant 3 : i32
    %c0_i32_0 = arith.constant 0 : i32
    return %arg0, %c0_i32, %c3_i32 : i32, i32, i32
  }
  func.func @transform_4(%arg0: i32) -> (i32, i32) {
    %c0_i32 = arith.constant 0 : i32
    %c0_i32_0 = arith.constant 0 : i32
    %c0_i32_1 = arith.constant 0 : i32
    return %c0_i32, %c0_i32_0 : i32, i32
  }
  func.func @transform_5(%arg0: i32) -> (i32, i32) {
    %c0_i32 = arith.constant 0 : i32
    %c0_i32_0 = arith.constant 0 : i32
    %c0_i32_1 = arith.constant 0 : i32
    return %c0_i32, %c0_i32_0 : i32, i32
  }
  func.func @transform_6(%arg0: i32) -> (i32, i32) {
    %c0_i32 = arith.constant 0 : i32
    %c0_i32_0 = arith.constant 0 : i32
    %c0_i32_1 = arith.constant 0 : i32
    return %c0_i32, %c0_i32_0 : i32, i32
  }
  func.func @transform_7(%arg0: i32) -> (i32, i32) {
    %c0_i32 = arith.constant 0 : i32
    %c0_i32_0 = arith.constant 0 : i32
    %c0_i32_1 = arith.constant 0 : i32
    return %c0_i32, %c0_i32_0 : i32, i32
  }
  func.func @transform_8(%arg0: i32) -> (i32, i32) {
    %c0_i32 = arith.constant 0 : i32
    %c0_i32_0 = arith.constant 0 : i32
    %c0_i32_1 = arith.constant 0 : i32
    return %c0_i32, %c0_i32_0 : i32, i32
  }
  func.func @transform_9(%arg0: i32) -> (i32, i32) {
    %c0_i32 = arith.constant 0 : i32
    %c0_i32_0 = arith.constant 0 : i32
    %c0_i32_1 = arith.constant 0 : i32
    return %c0_i32, %c0_i32_0 : i32, i32
  }
  func.func @transform_10(%arg0: i32) -> (i32, i32) {
    %c0_i32 = arith.constant 0 : i32
    %c0_i32_0 = arith.constant 0 : i32
    %c0_i32_1 = arith.constant 0 : i32
    return %c0_i32, %c0_i32_0 : i32, i32
  }
  func.func @transform_11(%arg0: i32) -> (i32, i32) {
    %c0_i32 = arith.constant 0 : i32
    %c0_i32_0 = arith.constant 0 : i32
    %c0_i32_1 = arith.constant 0 : i32
    return %c0_i32, %c0_i32_0 : i32, i32
  }
  func.func @transform_12(%arg0: i32) -> (i32, i32) {
    %c0_i32 = arith.constant 0 : i32
    %c0_i32_0 = arith.constant 0 : i32
    %c0_i32_1 = arith.constant 0 : i32
    return %c0_i32, %c0_i32_0 : i32, i32
  }
  func.func @transform_13(%arg0: i32) -> (i32, i32) {
    %c0_i32 = arith.constant 0 : i32
    %c0_i32_0 = arith.constant 0 : i32
    %c0_i32_1 = arith.constant 0 : i32
    return %c0_i32, %c0_i32_0 : i32, i32
  }
  func.func @transform_14(%arg0: i32) -> (i32, i32) {
    %c0_i32 = arith.constant 0 : i32
    %c0_i32_0 = arith.constant 0 : i32
    %c0_i32_1 = arith.constant 0 : i32
    return %c0_i32, %c0_i32_0 : i32, i32
  }
  func.func @transform_15(%arg0: i32) -> (i32, i32) {
    %c0_i32 = arith.constant 0 : i32
    %c0_i32_0 = arith.constant 0 : i32
    %c0_i32_1 = arith.constant 0 : i32
    return %c0_i32, %c0_i32_0 : i32, i32
  }
  func.func @transform_16(%arg0: i32) -> (i32, i32) {
    %c0_i32 = arith.constant 0 : i32
    %c0_i32_0 = arith.constant 0 : i32
    %c0_i32_1 = arith.constant 0 : i32
    return %c0_i32, %c0_i32_0 : i32, i32
  }
  func.func @transform_17(%arg0: i32) -> (i32, i32, i32) {
    %c0_i32 = arith.constant 0 : i32
    %c0_i32_0 = arith.constant 0 : i32
    %c0_i32_1 = arith.constant 0 : i32
    return %arg0, %c0_i32, %c0_i32_0 : i32, i32, i32
  }
  func.func @transform_18(%arg0: i32) -> (i32, i32, i32) {
    %c0_i32 = arith.constant 0 : i32
    %c0_i32_0 = arith.constant 0 : i32
    %c0_i32_1 = arith.constant 0 : i32
    return %arg0, %c0_i32, %c0_i32_0 : i32, i32, i32
  }
  func.func @transform_19(%arg0: i32) -> (i32, i32, i32) {
    %c0_i32 = arith.constant 0 : i32
    %c0_i32_0 = arith.constant 0 : i32
    %c0_i32_1 = arith.constant 0 : i32
    return %arg0, %c0_i32, %c0_i32_0 : i32, i32, i32
  }
  func.func @transform_20(%arg0: i32) -> (i32, i32, i32) {
    %c0_i32 = arith.constant 0 : i32
    %c0_i32_0 = arith.constant 0 : i32
    %c0_i32_1 = arith.constant 0 : i32
    return %arg0, %c0_i32, %c0_i32_0 : i32, i32, i32
  }
}

</mosaic_0001>

<sc_bundles>
// kernel: sparse-core-data-format-call.cloned.1.call-start
scs
called_computation_lowered:
.L_overlay_start_0:
0x0: {  	s2 =	sld [smem:$0x3FD9]  }
0x1: {  	s3 =	sld [smem:$0x3FFE];
	_ =	sdelay $0x1  }
0x2: {  	s1 =	srdreg.scid  }
0x3: {  	s0 =	sand.u32 $0x1, s1  }
0x4: {  	s18 =	sshll.u32 s0, $0xA;
	s2 =	sadd.s32 s3, s2  }
0x5: {  	s2 =	sadd.s32 s2, s18  }
0x6: {  	[smem:$0x3FB9] =	sst s2  }
0x7: {  	_ = 	snop  }
0x8: {  	s2 =	sld [smem:$0x3FD0];
	(tm) =	ssettm $0x1  }
0x9: {  	s19 =	sld [smem:$0x3FFB];
	_ =	sdelay $0x3  }
0xa: {  	_ =	strace s19  }
0xb: {  	s3 =	sld [smem:$0x3FFC];
	_ =	sdelay $0x3  }
0xc: {  	_ =	strace s3  }
0xd: {  	s3 =	sld [smem:$0x3FFD];
	_ =	sdelay $0x3  }
0xe: {  	_ =	strace s3  }
0xf: {  	_ =	strace $0x8FFFFFFF  }
0x10: {  	s20 =	sld [smem:$0x3FDB];
	_ =	sdelay $0x1  }
0x11: {  	s4 =	simm.s32 $_scs_section_size  }
0x12: {  	s5 =	simm.s32 $_size__tile_overlayer_lowered;
	s6 =	simm.s32 $_tile_overlayer_lowered  }
0x13: {  	s23 =	simm.s32 $0x1BFF;
	s22 =	sshll.u32 s6, $0x1;
	s3 =	sadd.s32 s4, s20  }
0x14: {  	s7 =	simm.s32 $0x0;
	s21 =	sshll.u32 s5, $0x1;
	s5 =	sadd.s32 s22, s3  }
0x15: {  	[timem:s7], [sflag:s23] =	dma.local [hbm:s5], s21  }
0x16: {  	_ =	swait.ge [sflag:s23], s21  }
0x17: {  	s4 =	ssub.s32 $0x0, s21;
	[sflag:s23] =	ssyncset.done $0x0  }
0x18: {  	[sflag:s23] =	ssyncadd.s32 s4;
	_ =	sdelay $0x1  }
0x19: {  	s24 =	simm.s32 $0x1B8B  }
0x1a: {  	_ =	swait.ge [sflag:s24], $0x1  }
0x1b: {  	[sflag:s24] =	ssyncset.done $0x0  }
0x1c: {  	s26 =	simm.s32 $0x1B8E;
	s25 =	sld [smem:$0x3FFE];
	[sflag:s24] =	ssyncadd.s32 $0xFFFFFFFF  }
0x1d: {  	s27 =	simm.s32 $execute0_lowered;
	[smem:$0x3FD2] =	sst s26  }
0x1e: {  	s5 =	sshll.u32 s27, $0x1;
	_ =	strace $0x80000046;
	[dreg:$0x1] =	wrdreg $0xFFFFFFFF  }
0x1f: {  	s28 =	simm.s32 $_size_execute0_lowered;
	s3 =	sadd.s32 s3, s5;
	[dreg:$0x0] =	wrdreg $0x0  }
0x20: {  	s5 =	sshll.u32 s28, $0x1;
	[dreg:$0x2] =	wrdreg s3  }
0x21: {  	[dreg:$0x3] =	wrdreg s5  }
0x22: {  	[dreg:$0x4] =	wrdreg $0xC0  }
0x23: {  	_ =	task [dreg:s7], $0x5FFFF  }
0x24: {  	[dreg:$0x1] =	wrdreg $0xFFFFFFFF  }
0x25: {  	[dreg:$0x0] =	wrdreg $0x60  }
0x26: {  	[dreg:$0x2] =	wrdreg s25  }
0x27: {  	[dreg:$0x3] =	wrdreg s2  }
0x28: {  	[dreg:$0x4] =	wrdreg $0x9  }
0x29: {  	_ =	task.clear_ibuf [dreg:s7], $0x5FFFF;
	_ =	strace $0x90000046  }
0x2a: {  	s29 =	simm.s32 $0x9;
	_ =	strace $0x80000048  }
0x2b: {  	_ =	swait.ge [sflag:s29], $0x1  }
0x2c: {  	[sflag:s29] =	ssyncadd.s32 $0xFFFFFFFF  }
0x2d: {  	_ =	strace $0x90000048  }
0x2e: {  	_ =	sfence  }
0x2f: {  	s30 =	sld [smem:$0x0];
	_ =	sdelay $0x2  }
0x30: {  	s31 =	sshll.u32 s1, $0xD;
	s1 =	sshrl.u32 s1, $0x2  }
0x31: {  	s3 =	sand.u32 $0x4000, s31;
	s1 =	sadd.s32 s1, s30  }
0x32: {  	s0 =	sor.u32 s3, s0;
	s1 =	sshll.u32 s1, $0x11  }
0x33: {  	s0 =	sor.u32 s1, s0  }
0x34: {  	s0 =	sadd.s32 $0x8F2B, s0  }
0x35: {  	[sflag:s0] =	ssyncadd.remote.s32 $0x1  }
0x36: {  	_ =	sfence.sel $0xFFFF  }
0x37: {  	[dreg:$0x0] =	wrdreg $0xFFFFFFFF;
	(pc) =	sbr.abs _section_cstart, $3  }
0x38: {  	[dreg:$0x1] =	wrdreg $0xFFFFFFFF  }
0x39: {  	_ =	task.clear_ibuf [dreg:s7], $0x2FFFF;
	_ =	strace $0x9FFFFFFF  }
0x3a: {  	(tm) =	ssettm $0x7FFFFFFF  }
0x3b: {  	_ =	shalt  }
tec
execute0_lowered:
.L_overlay_start_1:
0x0: {  	(tag) =	ssettag $0x1  }
0x1: {  	s1 =	rddreg [dreg:$0x0]  }
0x2: {  	s0 =	srdreg.scid;
	s2 =	rddreg [dreg:$0x1];
	s5 =	simm.s32 $0x1  }
0x3: {  	s8 =	simm.s32 $0x2;
	s14 =	simm.s32 $0x0;
	p0 =	por $0x0, $0x0  }
0x4: {  	s12 =	simm.s32 $0x0;
	s13 =	simm.s32 $0x0;
	s3 =	sshll.u32 s0, $0x7  }
0x5: {  	s9 =	simm.s32 $0x0;
	s10 =	stileid.u32;
	s3 =	sand.u32 $0x80, s3  }
.Ltmp0:
0x6: {  	s11 =	simm.s32 $0x0;
	s6 =	ssub.s32 $0x1800, s3;
	(pc) =	sbr.rel .LBB1_1-.Ltmp0, $4  }
0x7: {  	s0 =	rddreg [dreg:$0x2];
	_ =	strace $0x80000047;
	s7 =	sshrl.u32 s6, $0x7  }
0x8: {  	s4 =	sadd.s32 $0x120C00, s1;
	s6 =	sshrl.u32 s6, $0x8;
	s7 =	sand.u32 $0x1, s7  }
0x9: {  	s1 =	stileid.u32;
	[sflag:s5] =	ssyncpa.u1 $0x0;
	s6 =	sadd.s32 s6, s7  }
0xa: {  	[sflag:s8] =	ssyncpa.u1 $0x0;
	s8 =	smov.u32 s3;
	s7 =	sadd.s32 $0x1, s6  }
.LBB1_4:
0xb: {  	s14 =	sshll.u32 s14, $0x7;
	s20 =	sshll.u32 s12, $0x3  }
0xc: {  	v5 =	vld [tilespmem:s18+$0xFFFFFFD0];
	[tilespmem:s17+$0x2040 ss:$0x81] =	vst.msk $0xffff, v4;
	s21 =	sand.u32 $0xFFFFFC00, s14;
	s20 =	sand.u32 $0xFFFFFC00, s20  }
0xd: {  	v58 =	vld [tilespmem:s18+$0xFFFFFFE0];
	[tilespmem:s17+$0x2850 ss:$0x81] =	vst.msk $0xffff, v2;
	s14 =	sand.u32 $0x380, s14;
	s20 =	sadd.s32 s20, s21  }
0xe: {  	s19 =	sshra.s32 s19, $0x2;
	v59 =	vld [tilespmem:s18+$0xFFFFFFF0];
	[tilespmem:s17+$0x3060 ss:$0x81] =	vst.msk $0xffff, v3;
	s14 =	sor.u32 s14, s20  }
0xf: {  	v60 =	vld [tilespmem:s18+$0x0];
	[tilespmem:s17+$0x0 ss:$0x81] =	vst.msk $0xffff, v0;
	s16 =	sadd.s32 s19, s16;
	s14 =	sshrl.u32 s14, $0x7  }
0x10: {  	v61 =	vld [tilespmem:s18+$0x10];
	[tilespmem:s16+$0x3870 ss:$0x81] =	vst.msk $0xffff, v1;
	s28 =	smulhi.u32 $0xAAAAAB, s14  }
0x11: {  	v62 =	vld [tilespmem:s18+$0x20];
	[tilespmem:s16+$0x810 ss:$0x81] =	vst.msk $0xffff, v5  }
0x12: {  	v63 =	vld [tilespmem:s18+$0xFFFFFFC0];
	s13 =	smul.u32 $0x18000, s13;
	[tilespmem:s16+$0x1020 ss:$0x81] =	vst.msk $0xffff, v58;
	s17 =	sshrl.u32 s28, $0x4  }
0x13: {  	[tilespmem:s16+$0x1830 ss:$0x81] =	vst.msk $0xffff, v59;
	s17 =	smul.u32 $0x1800, s17  }
0x14: {  	s29 =	sshrl.u32 s12, $0x3;
	[tilespmem:s16+$0x2040 ss:$0x81] =	vst.msk $0xffff, v60  }
0x15: {  	s30 =	sand.u32 $0xF, s29;
	s13 =	sadd.s32 s2, s13;
	[tilespmem:s16+$0x2850 ss:$0x81] =	vst.msk $0xffff, v61;
	s14 =	ssub.s32 s14, s17  }
0x16: {  	s13 =	sadd.s32 s30, s13;
	[tilespmem:s16+$0x3060 ss:$0x81] =	vst.msk $0xffff, v62;
	s14 =	sshll.u32 s14, $0x4  }
0x17: {  	s31 =	sand.u32 $0x7, s12;
	[tilespmem:s16+$0x0 ss:$0x81] =	vst.msk $0xffff, v63;
	s13 =	sadd.s32 s14, s13  }
0x18: {  	[hbm4b:s13+s31] =	stream.linear.scatter [tilespmem:s15], [sflag:$0x2], $0x4000, $0x20;
	[tilespmem:$0x10100] =	vst v63  }
.LBB1_5:
0x19: {  	s15 =	sadd.s32 $0x100, s8  }
0x1a: {  	s12 =	sadd.s32 $0x80, s9;
	s16 =	smov.u32 s9;
	p2 =	sgt.s32 s15, $0x17FF  }
0x1b: {  	s16 =	smov.u32 @p2 s12  }
0x1c: {  	s18 =	smov.u32 s10;
	s12 =	sadd.s32 $0x10, s10;
	p3 =	sgt.s32 s16, $0x7F  }
0x1d: {  	s18 =	smov.u32 @p3 s12  }
0x1e: {  	s15 =	smov.u32 @p2 s3;
	p2 =	sgt.s32 s18, $0xF  }
0x1f: {  	p1 =	slt.u32 s11, $0x2;
	s18 =	smov.u32 @p2 s1;
	p2 =	sne.s32 s11, s7  }
.Ltmp1:
0x20: {  	s17 =	simm.s32 @!p1 $0x2;
	(pc) =	sbr.rel @!p2 .LBB1_6-.Ltmp1, $4  }
0x21: {  	s14 =	smov.u32 s8;
	s13 =	smov.u32 s10;
	_ =	swait.ge @!p1 [sflag:s17], $0x4000  }
0x22: {  	p0 =	por !p0, !p0;
	[sflag:s17] =	ssyncset.done @!p1 $0x0;
	s8 =	smov.u32 s15  }
0x23: {  	s16 =	simm.s32 @p3 $0x0;
	s12 =	smov.u32 s9;
	[sflag:s17] =	ssyncadd.s32 @!p1 $0xFFFFC000  }
0x24: {  	s9 =	smov.u32 s16;
	s11 =	sadd.s32 $0x1, s11;
	s10 =	smov.u32 s18  }
.LBB1_1:
0x25: {  	p1 =	sge.u32 s11, s6  }
0x26: {  	s15 =	sshrl.u32 @!p1 s9, $0x3  }
0x27: {  	s16 =	sshll.u32 @!p1 s8, $0x3;
	s17 =	sshll.u32 @!p1 s9, $0x7;
	s15 =	smul.u32 @!p1 $0xC000, s15  }
0x28: {  	s18 =	sand.u32 @!p1 $0x7F, s8;
	s16 =	sand.u32 @!p1 $0xFFFFFC00, s16;
	s17 =	sand.u32 @!p1 $0x380, s17  }
0x29: {  	s15 =	sadd.s32 @!p1 s15, s16;
	s16 =	sor.u32 @!p1 s18, s17  }
0x2a: {  	s16 =	sor.u32 @!p1 s15, s16  }
0x2b: {  	s17 =	smulhi.u32 @!p1 $0xAAAAAAAB, s16  }
0x2c: {  	s15 =	smulhi.u32 @!p1 $0xAAAAAAAB, s15  }
0x2d: {  	s17 =	sshrl.u32 @!p1 s17, $0xC  }
0x2e: {  	s31 =	sadd.s32 $0xFFFFFFFF, s11;
	s15 =	sshrl.u32 @!p1 s15, $0xC;
	s17 =	smul.u32 @!p1 $0x1800, s17  }
0x2f: {  	s19 =	smul.u32 @!p1 $0x18000, s10;
	s18 =	sxor.u32 @!p1 $0xFFFFFFFF, s11;
	s15 =	sand.u32 @!p1 $0x7F, s15  }
0x30: {  	s18 =	sshll.u32 @!p1 s18, $0xE;
	s15 =	smul.u32 @!p1 $0x300, s15;
	s16 =	ssub.s32 @!p1 s16, s17  }
0x31: {  	s17 =	sand.u32 @!p1 $0x4000, s18;
	s18 =	sadd.s32 @!p1 s4, s19;
	s19 =	sand.u32 @!p1 $0x7, s16  }
0x32: {  	s16 =	sshrl.u32 @!p1 s16, $0x3;
	s15 =	sadd.s32 @!p1 s15, s18;
	s18 =	sshll.u32 @!p1 s19, $0x12  }
0x33: {  	s15 =	sadd.s32 @!p1 s16, s15;
	s16 =	sor.u32 @!p1 $0x400, s18;
	s18 =	simm.s32 @!p1 $0xC000  }
0x34: {  	[tilespmem:s17], [sflag:$0x1] =	stream.strided.gather @!p1 [hbm4b:s15+s16], $0x4000, s18, s16, $0x38;
	[tilespmem:$0x10100] =	vst v63  }
0x35: {  	p1 =	sge.u32 s31, s6  }
.Ltmp2:
0x36: {  	_ = 	snop;
	(pc) =	sbr.rel @p1 .LBB1_5-.Ltmp2, $1  }
0x37: {  	_ =	sdelay $0x3  }
0x38: {  	s15 =	simm.s32 $0x1  }
0x39: {  	_ =	swait.ge [sflag:s5], $0x4000;
	s15 =	simm.s32 @!p0 $0x0  }
0x3a: {  	[sflag:s5] =	ssyncset.done $0x0;
	s16 =	sshll.u32 s15, $0xE  }
0x3b: {  	[sflag:s5] =	ssyncadd.s32 $0xFFFFC000;
	s18 =	sor.u32 $0x40, s16  }
0x3c: {  	s15 =	smul.u32 $0x10200, s15;
	v0 =	vld [tilespmem:s18+$0x30]  }
0x3d: {  	v1 =	vld [tilespmem:s18+$0xFFFFFFD0]  }
0x3e: {  	s15 =	sshrl.u32 s15, $0x2;
	v5 =	vld [tilespmem:s18+$0xFFFFFFE0]  }
0x3f: {  	v6 =	vld [tilespmem:s18+$0xFFFFFFF0];
	s16 =	sor.u32 $0x8000, s15  }
0x40: {  	s31 =	sand.u32 $0x1, s11;
	v4 =	vld [tilespmem:s18+$0x0];
	s17 =	sadd.s32 $0x0, s16  }
0x41: {  	v2 =	vld [tilespmem:s18+$0x10];
	s15 =	smul.u32 $0x10200, s31;
	[tilespmem:s17+$0x3870 ss:$0x81] =	vst.msk $0xffff, v0  }
0x42: {  	v3 =	vld [tilespmem:s18+$0x20];
	[tilespmem:s17+$0x810 ss:$0x81] =	vst.msk $0xffff, v1  }
0x43: {  	s15 =	sshrl.u32 s15, $0x2;
	v0 =	vld [tilespmem:s18+$0xFFFFFFC0];
	[tilespmem:s17+$0x1020 ss:$0x81] =	vst.msk $0xffff, v5;
	s18 =	sadd.s32 $0x80, s18  }
0x44: {  	s19 =	simm.s32 $0x4;
	s20 =	simm.s32 $0x8;
	s15 =	sor.u32 $0x8000, s15;
	[tilespmem:s17+$0x1830 ss:$0x81] =	vst.msk $0xffff, v6;
	v1 =	vld [tilespmem:s18+$0x30]  }
.LBB1_3:
0x45: {  	p1 =	sne.s32 s20, $0x1FC;
	v5 =	vld [tilespmem:s18+$0xFFFFFFD0];
	[tilespmem:s17+$0x2040 ss:$0x81] =	vst.msk $0xffff, v4  }
0x46: {  	v6 =	vld [tilespmem:s18+$0xFFFFFFE0];
	[tilespmem:s17+$0x2850 ss:$0x81] =	vst.msk $0xffff, v2  }
0x47: {  	s21 =	sshra.s32 s19, $0x2;
	s19 =	smov.u32 s20;
	v7 =	vld [tilespmem:s18+$0xFFFFFFF0];
	[tilespmem:s17+$0x3060 ss:$0x81] =	vst.msk $0xffff, v3  }
.Ltmp3:
0x48: {  	v4 =	vld [tilespmem:s18+$0x0];
	[tilespmem:s17+$0x0 ss:$0x81] =	vst.msk $0xffff, v0;
	s17 =	sadd.s32 s21, s16;
	(pc) =	sbr.rel @p1 .LBB1_3-.Ltmp3, $4  }
0x49: {  	v2 =	vld [tilespmem:s18+$0x10];
	[tilespmem:s17+$0x3870 ss:$0x81] =	vst.msk $0xffff, v1  }
0x4a: {  	[tilespmem:s17+$0x810 ss:$0x81] =	vst.msk $0xffff, v5;
	v3 =	vld [tilespmem:s18+$0x20]  }
0x4b: {  	v0 =	vld [tilespmem:s18+$0xFFFFFFC0];
	[tilespmem:s17+$0x1020 ss:$0x81] =	vst.msk $0xffff, v6;
	s18 =	sadd.s32 $0x80, s18  }
0x4c: {  	s20 =	sadd.s32 $0x4, s20;
	v1 =	vld [tilespmem:s18+$0x30];
	[tilespmem:s17+$0x1830 ss:$0x81] =	vst.msk $0xffff, v7  }
.Ltmp4:
0x4d: {  	_ = 	snop;
	(pc) =	sbr.rel .LBB1_4-.Ltmp4, $1  }
0x4e: {  	_ =	sdelay $0x3  }
.LBB1_6:
0x4f: {  	_ =	sfence.sel $0x180000  }
0x50: {  	s2 =	simm.s32 $0x1;
	[bflag:$0x0] =	sbarrier.arrive $0xFFFF  }
0x51: {  	s31 =	simm.s32 $0x2;
	[sflag:s2] =	ssyncpa.u1 $0x1  }
0x52: {  	[sflag:s31] =	ssyncpa.u1 $0x1  }
0x53: {  	p0 =	sne.s32 s1, $0x0;
	_ =	strace $0x90000047  }
0x54: {  	s0 =	sadd.s32 @!p0 $0x100000, s0;
	[bflag:$0x2] =	sbarrier.arrive $0xFFFF  }
0x55: {  	[sflag:s0] =	ssyncadd.tile.s32 @!p0 $0x1;
	_ =	shalt  }
.Lfunc_end1:
_tile_overlayer_lowered:
.L_overlay_start_2:
0x56: {  	(tag) =	ssettag $0x2  }
0x57: {  	s0 =	rddreg [dreg:$0x0];
	s2 =	stileid.u32  }
0x58: {  	s1 =	rddreg [dreg:$0x1];
	p0 =	sne.s32 s2, $0x0  }
0x59: {  	s3 =	rddreg [dreg:$0x2];
	[bflag:$0x3] =	sbarrier.arrive $0xFFFF;
	s2 =	simm.s32 @!p0 $0x1C01  }
0x5a: {  	[timem:s3], [sflag:s2] =	dma.local @!p0 [hbm:s0], s1  }
0x5b: {  	s0 =	simm.s32 @!p0 $0x1  }
0x5c: {  	_ =	swait.ge @!p0 [sflag:s0], s1  }
0x5d: {  	s1 =	ssub.s32 @!p0 $0x0, s1;
	[sflag:s0] =	ssyncset.done @!p0 $0x0  }
0x5e: {  	[sflag:s0] =	ssyncadd.s32 @!p0 s1  }
0x5f: {  	[bflag:$0x3] =	sbarrier.arrive $0xFFFF  }
0x60: {  	_ =	shalt  }

</sc_bundles>
